<compile_context>
chip_gen: v7x
topology: tpu7x:2x2x1
jax: 0.10.2.dev20260603
libtpu: 0.0.44.dev20260713+nightly
codegen_flags: <defaults>
</compile_context>

<pallas_src>
import functools

import jax
import jax.numpy as jnp
from jax import lax
from jax.experimental import pallas as pl
from jax.experimental.pallas import tpu as pltpu
from jax.experimental.pallas import tpu_sc as plsc

B, L, D = 4096, 200, 64
NUM_CORES, NUM_SUBCORES = 2, 16
NUM_WORKERS = NUM_CORES * NUM_SUBCORES
ROWS_PER_WORKER = B // NUM_WORKERS
LANES = 16
SEG1, SEG2, SEG2_PAD = 128, 72, 80


def _emb_body(x_ref, tok_ref, pos_ref, out_ref,
              xb1, xb2, pb1, pb2, tb1, tb2, qb1, qb2, sem):
    wid = lax.axis_index("s") * NUM_CORES + lax.axis_index("c")
    lane = lax.iota(jnp.int32, LANES)

    def row_body(r, _):
        gr = wid * ROWS_PER_WORKER + r
        base = gr * L
        pltpu.sync_copy(x_ref.at[pl.ds(base, SEG1)], xb1)
        pltpu.sync_copy(x_ref.at[pl.ds(base + SEG1, SEG2)],
                        xb2.at[pl.ds(0, SEG2)])

        carry = jnp.zeros((LANES,), jnp.int32)
        for c in range(SEG1 // LANES):
            v = xb1[pl.ds(c * LANES, LANES)]
            m = v != 0
            cs = plsc.cumsum(m.astype(jnp.int32))
            pb1[pl.ds(c * LANES, LANES)] = jnp.where(m, cs + carry, 0)
            carry = carry + plsc.all_reduce_population_count(m)
        for c in range(SEG2_PAD // LANES):
            v = xb2[pl.ds(c * LANES, LANES)]
            if c == SEG2_PAD // LANES - 1:
                v = jnp.where(lane < SEG2 - c * LANES, v, 0)
                xb2[pl.ds(c * LANES, LANES)] = v
            m = v != 0
            cs = plsc.cumsum(m.astype(jnp.int32))
            pb2[pl.ds(c * LANES, LANES)] = jnp.where(m, cs + carry, 0)
            carry = carry + plsc.all_reduce_population_count(m)

        cps = [
            pltpu.async_copy(tok_ref.at[xb1], tb1, sem),
            pltpu.async_copy(tok_ref.at[xb2], tb2, sem),
            pltpu.async_copy(pos_ref.at[pb1], qb1, sem),
            pltpu.async_copy(pos_ref.at[pb2], qb2, sem),
        ]
        for cp in cps:
            cp.wait()

        def add1(l, c):
            for j in range(D // LANES):
                s = pl.ds(j * LANES, LANES)
                tb1[l, s] = tb1[l, s] + qb1[l, s]
            return c
        lax.fori_loop(0, SEG1, add1, 0)

        def add2(l, c):
            for j in range(D // LANES):
                s = pl.ds(j * LANES, LANES)
                tb2[l, s] = tb2[l, s] + qb2[l, s]
            return c
        lax.fori_loop(0, SEG2, add2, 0)

        pltpu.sync_copy(tb1, out_ref.at[gr].at[pl.ds(0, SEG1)])
        pltpu.sync_copy(tb2.at[pl.ds(0, SEG2)],
                        out_ref.at[gr].at[pl.ds(SEG1, SEG2)])
        return _

    lax.fori_loop(0, ROWS_PER_WORKER, row_body, 0)


@jax.jit
def _emb(x, tok_table, pos_table):
    mesh = plsc.VectorSubcoreMesh(core_axis_name="c", subcore_axis_name="s")
    f = functools.partial(
        pl.kernel,
        out_type=jax.ShapeDtypeStruct((B, L, D), jnp.float32),
        mesh=mesh,
        scratch_types=[
            pltpu.VMEM((SEG1,), jnp.int32),
            pltpu.VMEM((SEG2_PAD,), jnp.int32),
            pltpu.VMEM((SEG1,), jnp.int32),
            pltpu.VMEM((SEG2_PAD,), jnp.int32),
            pltpu.VMEM((SEG1, D), jnp.float32),
            pltpu.VMEM((SEG2_PAD, D), jnp.float32),
            pltpu.VMEM((SEG1, D), jnp.float32),
            pltpu.VMEM((SEG2_PAD, D), jnp.float32),
            pltpu.SemaphoreType.DMA,
        ],
        compiler_params=pltpu.CompilerParams(
            needs_layout_passes=False, use_tc_tiling_on_sc=False),
    )(_emb_body)
    return f(x.reshape(-1), tok_table, pos_table)


def kernel(x, tok_table, pos_table):
    x = x.astype(jnp.int32)
    out = _emb(x, tok_table, pos_table)
    return out, x == 0

# --- scband reference (transcript-rebuilt; emitter-appended) ---
"""Pipeline reference for scband-combined-embedding-7782480740390 (READ-ONLY COPY).

The authoritative reference and input builder live on the scoring server;
editing this copy changes nothing except your own understanding.
"""

import jax, jax.numpy as jnp
import numpy as np


def setup_inputs(seed: int = 0) -> dict:
    key = jax.random.key(seed)
    k1, k2, k3 = jax.random.split(key, 3)
    x = jax.random.randint(k1, (4096, 200), 0, 1000000)
    tok_table = jax.random.normal(k2, (1000000, 64), dtype=jnp.float32) * 0.02
    tok_table = tok_table.at[0].set(0.0)  # padding_idx=0 row zeroed like nn.Embedding
    pos_table = jax.random.normal(k3, (513, 64), dtype=jnp.float32) * 0.01
    pos_table = pos_table.at[0].set(0.0)  # pos padding_idx=0 row zeroed
    return {"x": x, "tok_table": tok_table, "pos_table": pos_table}


def reference(x, tok_table, pos_table):
    # x: int64[B, L] -> unsqueeze to [B, L, 1] as in torch forward
    x3 = x[:, :, None]
    padding_mask = x3[:, :, 0] == 0  # tok_padding_idx = 0
    positions = jnp.cumsum((~padding_mask).astype(jnp.int32), axis=-1)  # add_length = 0
    positions = jnp.where(padding_mask, 0, positions)  # pos_padding_idx = 0
    # enforce padding rows are zero (matches nn.Embedding padding_idx semantics)
    tok_t = tok_table.at[0].set(0.0)
    pos_t = pos_table.at[0].set(0.0)
    tok = jnp.take(tok_t, x3, axis=0)  # [B, L, 1, D]
    tok = tok.sum(axis=2)              # [B, L, D]
    out = tok + jnp.take(pos_t, positions, axis=0)
    return out, padding_mask

if __name__ == "__main__":
    import jax
    _d = setup_inputs()
    print(jax.jit(kernel)(*tuple(_d.values())))

</pallas_src>

<mosaic_0001>
#map = affine_map<(d0, d1) -> (0)>
#map1 = affine_map<(d0, d1) -> (0, 0)>
#map2 = affine_map<(d0, d1) -> (0, 0, 0)>
module attributes {stable_mosaic.version = 14 : i64} {
  func.func @_emb_body(%arg0: i32, %arg1: i32, %arg2: memref<819200xi32, #tpu.memory_space<hbm>>, %arg3: memref<1000000x64xf32, #tpu.memory_space<hbm>>, %arg4: memref<513x64xf32, #tpu.memory_space<hbm>>, %arg5: memref<4096x200x64xf32, #tpu.memory_space<hbm>>, %arg6: memref<128xi32, #tpu.memory_space<vmem>>, %arg7: memref<80xi32, #tpu.memory_space<vmem>>, %arg8: memref<128xi32, #tpu.memory_space<vmem>>, %arg9: memref<80xi32, #tpu.memory_space<vmem>>, %arg10: memref<128x64xf32, #tpu.memory_space<vmem>>, %arg11: memref<80x64xf32, #tpu.memory_space<vmem>>, %arg12: memref<128x64xf32, #tpu.memory_space<vmem>>, %arg13: memref<80x64xf32, #tpu.memory_space<vmem>>, %arg14: memref<!tpu.dma_semaphore, #tpu.memory_space<semaphore_mem>>) attributes {dimension_semantics = [#tpu.dimension_semantics<core_parallel>, #tpu.dimension_semantics<subcore_parallel>], iteration_bounds = array<i64: 2, 16>, scalar_prefetch = 0 : i64, scratch_operands = 9 : i64, tpu.core_type = #tpu.core_type<sc_vector_subcore>, window_params = [{transform_indices = #map}, {transform_indices = #map1}, {transform_indices = #map1}, {transform_indices = #map2}]} {
    %mul3A = arith.constant 2 : i32
    %mul3A_0 = arith.muli %arg1, %mul3A : i32
    %add3A = arith.addi %mul3A_0, %arg0 : i32
    %iota3A = tpu.iota {dimensions = array<i32: 0>} : vector<16xi32>
    %scan3A = arith.constant 0 : i32
    %scan3A_1 = arith.constant 0 : i32
    %scan3A_2 = arith.constant 128 : i32
    %scan3A_3 = arith.addi %scan3A_1, %scan3A_2 : i32
    %scan3A_4 = arith.constant 1 : i32
    scf.for %scan3A_6 = %scan3A_1 to %scan3A_3 step %scan3A_4  : i32 {
      %mul3A_7 = arith.constant 128 : i32
      %mul3A_8 = arith.muli %add3A, %mul3A_7 : i32
      %add3A_9 = arith.addi %mul3A_8, %scan3A_6 : i32
      %mul3A_10 = arith.constant 200 : i32
      %mul3A_11 = arith.muli %add3A_9, %mul3A_10 : i32
      "tpu.region"() ({
        %run_scoped3A = tpu.sem_alloc : memref<!tpu.dma_semaphore, #tpu.memory_space<semaphore_mem>>
        %dma_start3A_269 = tpu.memref_slice %arg2[%mul3A_11] : memref<819200xi32, #tpu.memory_space<hbm>> -> memref<128xi32, #tpu.memory_space<hbm>>
        %dma_start3A_270 = tpu.memref_slice %arg2[%mul3A_11] : memref<819200xi32, #tpu.memory_space<hbm>> -> memref<128xi32, #tpu.memory_space<hbm>>
        tpu.enqueue_dma source(%dma_start3A_270 : memref<128xi32, #tpu.memory_space<hbm>>) target(%arg6 : memref<128xi32, #tpu.memory_space<vmem>>) target_semaphore(%run_scoped3A : memref<!tpu.dma_semaphore, #tpu.memory_space<semaphore_mem>>)
        %dma_wait3A_271 = tpu.memref_slice %arg2[%mul3A_11] : memref<819200xi32, #tpu.memory_space<hbm>> -> memref<128xi32, #tpu.memory_space<hbm>>
        %dma_wait3A_272 = tpu.memref_slice %arg2[%mul3A_11] : memref<819200xi32, #tpu.memory_space<hbm>> -> memref<128xi32, #tpu.memory_space<hbm>>
        tpu.wait_dma2 semaphore(%run_scoped3A : memref<!tpu.dma_semaphore, #tpu.memory_space<semaphore_mem>>) src(%dma_wait3A_272 : memref<128xi32, #tpu.memory_space<hbm>>) dst(%arg6 : memref<128xi32, #tpu.memory_space<vmem>>)
        tpu.yield
      }) : () -> ()
      %add3A_12 = arith.constant 128 : i32
      %add3A_13 = arith.addi %mul3A_11, %add3A_12 : i32
      "tpu.region"() ({
        %run_scoped3A = tpu.sem_alloc : memref<!tpu.dma_semaphore, #tpu.memory_space<semaphore_mem>>
        %dma_start3A_269 = arith.constant 0 : i32
        %dma_start3A_270 = tpu.memref_slice %arg7[%dma_start3A_269] : memref<80xi32, #tpu.memory_space<vmem>> -> memref<72xi32, #tpu.memory_space<vmem>>
        %dma_start3A_271 = tpu.memref_slice %arg2[%add3A_13] : memref<819200xi32, #tpu.memory_space<hbm>> -> memref<72xi32, #tpu.memory_space<hbm>>
        %dma_start3A_272 = arith.constant 0 : i32
        %dma_start3A_273 = tpu.memref_slice %arg7[%dma_start3A_272] : memref<80xi32, #tpu.memory_space<vmem>> -> memref<72xi32, #tpu.memory_space<vmem>>
        %dma_start3A_274 = tpu.memref_slice %arg2[%add3A_13] : memref<819200xi32, #tpu.memory_space<hbm>> -> memref<72xi32, #tpu.memory_space<hbm>>
        tpu.enqueue_dma source(%dma_start3A_274 : memref<72xi32, #tpu.memory_space<hbm>>) target(%dma_start3A_273 : memref<72xi32, #tpu.memory_space<vmem>>) target_semaphore(%run_scoped3A : memref<!tpu.dma_semaphore, #tpu.memory_space<semaphore_mem>>)
        %dma_wait3A_275 = arith.constant 0 : i32
        %dma_wait3A_276 = tpu.memref_slice %arg7[%dma_wait3A_275] : memref<80xi32, #tpu.memory_space<vmem>> -> memref<72xi32, #tpu.memory_space<vmem>>
        %dma_wait3A_277 = tpu.memref_slice %arg2[%add3A_13] : memref<819200xi32, #tpu.memory_space<hbm>> -> memref<72xi32, #tpu.memory_space<hbm>>
        %dma_wait3A_278 = arith.constant 0 : i32
        %dma_wait3A_279 = tpu.memref_slice %arg7[%dma_wait3A_278] : memref<80xi32, #tpu.memory_space<vmem>> -> memref<72xi32, #tpu.memory_space<vmem>>
        %dma_wait3A_280 = tpu.memref_slice %arg2[%add3A_13] : memref<819200xi32, #tpu.memory_space<hbm>> -> memref<72xi32, #tpu.memory_space<hbm>>
        tpu.wait_dma2 semaphore(%run_scoped3A : memref<!tpu.dma_semaphore, #tpu.memory_space<semaphore_mem>>) src(%dma_wait3A_280 : memref<72xi32, #tpu.memory_space<hbm>>) dst(%dma_wait3A_279 : memref<72xi32, #tpu.memory_space<vmem>>)
        tpu.yield
      }) : () -> ()
      %broadcast_in_dim3A = arith.constant 0 : i32
      %broadcast_in_dim3A_14 = vector.broadcast %broadcast_in_dim3A : i32 to vector<16xi32>
      %get3A = arith.constant 0 : index
      %get3A_15 = tpu.vector_load %arg6[%get3A] {strides = array<i32>} : memref<128xi32, #tpu.memory_space<vmem>>, vector<16xi32>,
      %ne3A = arith.constant 0 : i32
      %ne3A_16 = vector.broadcast %ne3A : i32 to vector<16xi32>
      %ne3A_17 = arith.cmpi ne, %get3A_15, %ne3A_16 : vector<16xi32>
      %convert_element_type3A = arith.extui %ne3A_17 : vector<16xi1> to vector<16xi32>
      %broadcast_in_dim3A_18 = arith.constant true
      %broadcast_in_dim3A_19 = vector.broadcast %broadcast_in_dim3A_18 : i1 to vector<16xi1>
      %masked_cumsum3A = tpu.scan <sum>, %convert_element_type3A masked %broadcast_in_dim3A_19 : vector<16xi32>, vector<16xi1> -> vector<16xi32>
      %add3A_20 = arith.addi %masked_cumsum3A, %broadcast_in_dim3A_14 : vector<16xi32>
      %jit3A = arith.constant 0 : i32
      %broadcast_in_dim3A_21 = vector.broadcast %jit3A : i32 to vector<16xi32>
      %select_n3A = arith.select %ne3A_17, %add3A_20, %broadcast_in_dim3A_21 : vector<16xi1>, vector<16xi32>
      %swap3A = arith.constant 0 : index
      %swap3A_22 = tpu.vector_load %arg8[%swap3A] {strides = array<i32>} : memref<128xi32, #tpu.memory_space<vmem>>, vector<16xi32>,
      tpu.vector_store %arg8[%swap3A], %select_n3A {strides = array<i32>} : memref<128xi32, #tpu.memory_space<vmem>>, vector<16xi32>,
      %all_reduce_population_count3A = tpu.all_reduce %ne3A_17 {dim = 0 : i64, kind = #tpu.reduction_kind<sum>} : vector<16xi1> -> vector<16xi32>
      %add3A_23 = arith.addi %broadcast_in_dim3A_14, %all_reduce_population_count3A : vector<16xi32>
      %get3A_24 = arith.constant 16 : index
      %get3A_25 = tpu.vector_load %arg6[%get3A_24] {strides = array<i32>} : memref<128xi32, #tpu.memory_space<vmem>>, vector<16xi32>,
      %ne3A_26 = arith.constant 0 : i32
      %ne3A_27 = vector.broadcast %ne3A_26 : i32 to vector<16xi32>
      %ne3A_28 = arith.cmpi ne, %get3A_25, %ne3A_27 : vector<16xi32>
      %convert_element_type3A_29 = arith.extui %ne3A_28 : vector<16xi1> to vector<16xi32>
      %broadcast_in_dim3A_30 = arith.constant true
      %broadcast_in_dim3A_31 = vector.broadcast %broadcast_in_dim3A_30 : i1 to vector<16xi1>
      %masked_cumsum3A_32 = tpu.scan <sum>, %convert_element_type3A_29 masked %broadcast_in_dim3A_31 : vector<16xi32>, vector<16xi1> -> vector<16xi32>
      %add3A_33 = arith.addi %masked_cumsum3A_32, %add3A_23 : vector<16xi32>
      %jit3A_34 = arith.constant 0 : i32
      %broadcast_in_dim3A_35 = vector.broadcast %jit3A_34 : i32 to vector<16xi32>
      %select_n3A_36 = arith.select %ne3A_28, %add3A_33, %broadcast_in_dim3A_35 : vector<16xi1>, vector<16xi32>
      %swap3A_37 = arith.constant 16 : index
      %swap3A_38 = tpu.vector_load %arg8[%swap3A_37] {strides = array<i32>} : memref<128xi32, #tpu.memory_space<vmem>>, vector<16xi32>,
      tpu.vector_store %arg8[%swap3A_37], %select_n3A_36 {strides = array<i32>} : memref<128xi32, #tpu.memory_space<vmem>>, vector<16xi32>,
      %all_reduce_population_count3A_39 = tpu.all_reduce %ne3A_28 {dim = 0 : i64, kind = #tpu.reduction_kind<sum>} : vector<16xi1> -> vector<16xi32>
      %add3A_40 = arith.addi %add3A_23, %all_reduce_population_count3A_39 : vector<16xi32>
      %get3A_41 = arith.constant 32 : index
      %get3A_42 = tpu.vector_load %arg6[%get3A_41] {strides = array<i32>} : memref<128xi32, #tpu.memory_space<vmem>>, vector<16xi32>,
      %ne3A_43 = arith.constant 0 : i32
      %ne3A_44 = vector.broadcast %ne3A_43 : i32 to vector<16xi32>
      %ne3A_45 = arith.cmpi ne, %get3A_42, %ne3A_44 : vector<16xi32>
      %convert_element_type3A_46 = arith.extui %ne3A_45 : vector<16xi1> to vector<16xi32>
      %broadcast_in_dim3A_47 = arith.constant true
      %broadcast_in_dim3A_48 = vector.broadcast %broadcast_in_dim3A_47 : i1 to vector<16xi1>
      %masked_cumsum3A_49 = tpu.scan <sum>, %convert_element_type3A_46 masked %broadcast_in_dim3A_48 : vector<16xi32>, vector<16xi1> -> vector<16xi32>
      %add3A_50 = arith.addi %masked_cumsum3A_49, %add3A_40 : vector<16xi32>
      %jit3A_51 = arith.constant 0 : i32
      %broadcast_in_dim3A_52 = vector.broadcast %jit3A_51 : i32 to vector<16xi32>
      %select_n3A_53 = arith.select %ne3A_45, %add3A_50, %broadcast_in_dim3A_52 : vector<16xi1>, vector<16xi32>
      %swap3A_54 = arith.constant 32 : index
      %swap3A_55 = tpu.vector_load %arg8[%swap3A_54] {strides = array<i32>} : memref<128xi32, #tpu.memory_space<vmem>>, vector<16xi32>,
      tpu.vector_store %arg8[%swap3A_54], %select_n3A_53 {strides = array<i32>} : memref<128xi32, #tpu.memory_space<vmem>>, vector<16xi32>,
      %all_reduce_population_count3A_56 = tpu.all_reduce %ne3A_45 {dim = 0 : i64, kind = #tpu.reduction_kind<sum>} : vector<16xi1> -> vector<16xi32>
      %add3A_57 = arith.addi %add3A_40, %all_reduce_population_count3A_56 : vector<16xi32>
      %get3A_58 = arith.constant 48 : index
      %get3A_59 = tpu.vector_load %arg6[%get3A_58] {strides = array<i32>} : memref<128xi32, #tpu.memory_space<vmem>>, vector<16xi32>,
      %ne3A_60 = arith.constant 0 : i32
      %ne3A_61 = vector.broadcast %ne3A_60 : i32 to vector<16xi32>
      %ne3A_62 = arith.cmpi ne, %get3A_59, %ne3A_61 : vector<16xi32>
      %convert_element_type3A_63 = arith.extui %ne3A_62 : vector<16xi1> to vector<16xi32>
      %broadcast_in_dim3A_64 = arith.constant true
      %broadcast_in_dim3A_65 = vector.broadcast %broadcast_in_dim3A_64 : i1 to vector<16xi1>
      %masked_cumsum3A_66 = tpu.scan <sum>, %convert_element_type3A_63 masked %broadcast_in_dim3A_65 : vector<16xi32>, vector<16xi1> -> vector<16xi32>
      %add3A_67 = arith.addi %masked_cumsum3A_66, %add3A_57 : vector<16xi32>
      %jit3A_68 = arith.constant 0 : i32
      %broadcast_in_dim3A_69 = vector.broadcast %jit3A_68 : i32 to vector<16xi32>
      %select_n3A_70 = arith.select %ne3A_62, %add3A_67, %broadcast_in_dim3A_69 : vector<16xi1>, vector<16xi32>
      %swap3A_71 = arith.constant 48 : index
      %swap3A_72 = tpu.vector_load %arg8[%swap3A_71] {strides = array<i32>} : memref<128xi32, #tpu.memory_space<vmem>>, vector<16xi32>,
      tpu.vector_store %arg8[%swap3A_71], %select_n3A_70 {strides = array<i32>} : memref<128xi32, #tpu.memory_space<vmem>>, vector<16xi32>,
      %all_reduce_population_count3A_73 = tpu.all_reduce %ne3A_62 {dim = 0 : i64, kind = #tpu.reduction_kind<sum>} : vector<16xi1> -> vector<16xi32>
      %add3A_74 = arith.addi %add3A_57, %all_reduce_population_count3A_73 : vector<16xi32>
      %get3A_75 = arith.constant 64 : index
      %get3A_76 = tpu.vector_load %arg6[%get3A_75] {strides = array<i32>} : memref<128xi32, #tpu.memory_space<vmem>>, vector<16xi32>,
      %ne3A_77 = arith.constant 0 : i32
      %ne3A_78 = vector.broadcast %ne3A_77 : i32 to vector<16xi32>
      %ne3A_79 = arith.cmpi ne, %get3A_76, %ne3A_78 : vector<16xi32>
      %convert_element_type3A_80 = arith.extui %ne3A_79 : vector<16xi1> to vector<16xi32>
      %broadcast_in_dim3A_81 = arith.constant true
      %broadcast_in_dim3A_82 = vector.broadcast %broadcast_in_dim3A_81 : i1 to vector<16xi1>
      %masked_cumsum3A_83 = tpu.scan <sum>, %convert_element_type3A_80 masked %broadcast_in_dim3A_82 : vector<16xi32>, vector<16xi1> -> vector<16xi32>
      %add3A_84 = arith.addi %masked_cumsum3A_83, %add3A_74 : vector<16xi32>
      %jit3A_85 = arith.constant 0 : i32
      %broadcast_in_dim3A_86 = vector.broadcast %jit3A_85 : i32 to vector<16xi32>
      %select_n3A_87 = arith.select %ne3A_79, %add3A_84, %broadcast_in_dim3A_86 : vector<16xi1>, vector<16xi32>
      %swap3A_88 = arith.constant 64 : index
      %swap3A_89 = tpu.vector_load %arg8[%swap3A_88] {strides = array<i32>} : memref<128xi32, #tpu.memory_space<vmem>>, vector<16xi32>,
      tpu.vector_store %arg8[%swap3A_88], %select_n3A_87 {strides = array<i32>} : memref<128xi32, #tpu.memory_space<vmem>>, vector<16xi32>,
      %all_reduce_population_count3A_90 = tpu.all_reduce %ne3A_79 {dim = 0 : i64, kind = #tpu.reduction_kind<sum>} : vector<16xi1> -> vector<16xi32>
      %add3A_91 = arith.addi %add3A_74, %all_reduce_population_count3A_90 : vector<16xi32>
      %get3A_92 = arith.constant 80 : index
      %get3A_93 = tpu.vector_load %arg6[%get3A_92] {strides = array<i32>} : memref<128xi32, #tpu.memory_space<vmem>>, vector<16xi32>,
      %ne3A_94 = arith.constant 0 : i32
      %ne3A_95 = vector.broadcast %ne3A_94 : i32 to vector<16xi32>
      %ne3A_96 = arith.cmpi ne, %get3A_93, %ne3A_95 : vector<16xi32>
      %convert_element_type3A_97 = arith.extui %ne3A_96 : vector<16xi1> to vector<16xi32>
      %broadcast_in_dim3A_98 = arith.constant true
      %broadcast_in_dim3A_99 = vector.broadcast %broadcast_in_dim3A_98 : i1 to vector<16xi1>
      %masked_cumsum3A_100 = tpu.scan <sum>, %convert_element_type3A_97 masked %broadcast_in_dim3A_99 : vector<16xi32>, vector<16xi1> -> vector<16xi32>
      %add3A_101 = arith.addi %masked_cumsum3A_100, %add3A_91 : vector<16xi32>
      %jit3A_102 = arith.constant 0 : i32
      %broadcast_in_dim3A_103 = vector.broadcast %jit3A_102 : i32 to vector<16xi32>
      %select_n3A_104 = arith.select %ne3A_96, %add3A_101, %broadcast_in_dim3A_103 : vector<16xi1>, vector<16xi32>
      %swap3A_105 = arith.constant 80 : index
      %swap3A_106 = tpu.vector_load %arg8[%swap3A_105] {strides = array<i32>} : memref<128xi32, #tpu.memory_space<vmem>>, vector<16xi32>,
      tpu.vector_store %arg8[%swap3A_105], %select_n3A_104 {strides = array<i32>} : memref<128xi32, #tpu.memory_space<vmem>>, vector<16xi32>,
      %all_reduce_population_count3A_107 = tpu.all_reduce %ne3A_96 {dim = 0 : i64, kind = #tpu.reduction_kind<sum>} : vector<16xi1> -> vector<16xi32>
      %add3A_108 = arith.addi %add3A_91, %all_reduce_population_count3A_107 : vector<16xi32>
      %get3A_109 = arith.constant 96 : index
      %get3A_110 = tpu.vector_load %arg6[%get3A_109] {strides = array<i32>} : memref<128xi32, #tpu.memory_space<vmem>>, vector<16xi32>,
      %ne3A_111 = arith.constant 0 : i32
      %ne3A_112 = vector.broadcast %ne3A_111 : i32 to vector<16xi32>
      %ne3A_113 = arith.cmpi ne, %get3A_110, %ne3A_112 : vector<16xi32>
      %convert_element_type3A_114 = arith.extui %ne3A_113 : vector<16xi1> to vector<16xi32>
      %broadcast_in_dim3A_115 = arith.constant true
      %broadcast_in_dim3A_116 = vector.broadcast %broadcast_in_dim3A_115 : i1 to vector<16xi1>
      %masked_cumsum3A_117 = tpu.scan <sum>, %convert_element_type3A_114 masked %broadcast_in_dim3A_116 : vector<16xi32>, vector<16xi1> -> vector<16xi32>
      %add3A_118 = arith.addi %masked_cumsum3A_117, %add3A_108 : vector<16xi32>
      %jit3A_119 = arith.constant 0 : i32
      %broadcast_in_dim3A_120 = vector.broadcast %jit3A_119 : i32 to vector<16xi32>
      %select_n3A_121 = arith.select %ne3A_113, %add3A_118, %broadcast_in_dim3A_120 : vector<16xi1>, vector<16xi32>
      %swap3A_122 = arith.constant 96 : index
      %swap3A_123 = tpu.vector_load %arg8[%swap3A_122] {strides = array<i32>} : memref<128xi32, #tpu.memory_space<vmem>>, vector<16xi32>,
      tpu.vector_store %arg8[%swap3A_122], %select_n3A_121 {strides = array<i32>} : memref<128xi32, #tpu.memory_space<vmem>>, vector<16xi32>,
      %all_reduce_population_count3A_124 = tpu.all_reduce %ne3A_113 {dim = 0 : i64, kind = #tpu.reduction_kind<sum>} : vector<16xi1> -> vector<16xi32>
      %add3A_125 = arith.addi %add3A_108, %all_reduce_population_count3A_124 : vector<16xi32>
      %get3A_126 = arith.constant 112 : index
      %get3A_127 = tpu.vector_load %arg6[%get3A_126] {strides = array<i32>} : memref<128xi32, #tpu.memory_space<vmem>>, vector<16xi32>,
      %ne3A_128 = arith.constant 0 : i32
      %ne3A_129 = vector.broadcast %ne3A_128 : i32 to vector<16xi32>
      %ne3A_130 = arith.cmpi ne, %get3A_127, %ne3A_129 : vector<16xi32>
      %convert_element_type3A_131 = arith.extui %ne3A_130 : vector<16xi1> to vector<16xi32>
      %broadcast_in_dim3A_132 = arith.constant true
      %broadcast_in_dim3A_133 = vector.broadcast %broadcast_in_dim3A_132 : i1 to vector<16xi1>
      %masked_cumsum3A_134 = tpu.scan <sum>, %convert_element_type3A_131 masked %broadcast_in_dim3A_133 : vector<16xi32>, vector<16xi1> -> vector<16xi32>
      %add3A_135 = arith.addi %masked_cumsum3A_134, %add3A_125 : vector<16xi32>
      %jit3A_136 = arith.constant 0 : i32
      %broadcast_in_dim3A_137 = vector.broadcast %jit3A_136 : i32 to vector<16xi32>
      %select_n3A_138 = arith.select %ne3A_130, %add3A_135, %broadcast_in_dim3A_137 : vector<16xi1>, vector<16xi32>
      %swap3A_139 = arith.constant 112 : index
      %swap3A_140 = tpu.vector_load %arg8[%swap3A_139] {strides = array<i32>} : memref<128xi32, #tpu.memory_space<vmem>>, vector<16xi32>,
      tpu.vector_store %arg8[%swap3A_139], %select_n3A_138 {strides = array<i32>} : memref<128xi32, #tpu.memory_space<vmem>>, vector<16xi32>,
      %all_reduce_population_count3A_141 = tpu.all_reduce %ne3A_130 {dim = 0 : i64, kind = #tpu.reduction_kind<sum>} : vector<16xi1> -> vector<16xi32>
      %add3A_142 = arith.addi %add3A_125, %all_reduce_population_count3A_141 : vector<16xi32>
      %get3A_143 = arith.constant 0 : index
      %get3A_144 = tpu.vector_load %arg7[%get3A_143] {strides = array<i32>} : memref<80xi32, #tpu.memory_space<vmem>>, vector<16xi32>,
      %ne3A_145 = arith.constant 0 : i32
      %ne3A_146 = vector.broadcast %ne3A_145 : i32 to vector<16xi32>
      %ne3A_147 = arith.cmpi ne, %get3A_144, %ne3A_146 : vector<16xi32>
      %convert_element_type3A_148 = arith.extui %ne3A_147 : vector<16xi1> to vector<16xi32>
      %broadcast_in_dim3A_149 = arith.constant true
      %broadcast_in_dim3A_150 = vector.broadcast %broadcast_in_dim3A_149 : i1 to vector<16xi1>
      %masked_cumsum3A_151 = tpu.scan <sum>, %convert_element_type3A_148 masked %broadcast_in_dim3A_150 : vector<16xi32>, vector<16xi1> -> vector<16xi32>
      %add3A_152 = arith.addi %masked_cumsum3A_151, %add3A_142 : vector<16xi32>
      %jit3A_153 = arith.constant 0 : i32
      %broadcast_in_dim3A_154 = vector.broadcast %jit3A_153 : i32 to vector<16xi32>
      %select_n3A_155 = arith.select %ne3A_147, %add3A_152, %broadcast_in_dim3A_154 : vector<16xi1>, vector<16xi32>
      %swap3A_156 = arith.constant 0 : index
      %swap3A_157 = tpu.vector_load %arg9[%swap3A_156] {strides = array<i32>} : memref<80xi32, #tpu.memory_space<vmem>>, vector<16xi32>,
      tpu.vector_store %arg9[%swap3A_156], %select_n3A_155 {strides = array<i32>} : memref<80xi32, #tpu.memory_space<vmem>>, vector<16xi32>,
      %all_reduce_population_count3A_158 = tpu.all_reduce %ne3A_147 {dim = 0 : i64, kind = #tpu.reduction_kind<sum>} : vector<16xi1> -> vector<16xi32>
      %add3A_159 = arith.addi %add3A_142, %all_reduce_population_count3A_158 : vector<16xi32>
      %get3A_160 = arith.constant 16 : index
      %get3A_161 = tpu.vector_load %arg7[%get3A_160] {strides = array<i32>} : memref<80xi32, #tpu.memory_space<vmem>>, vector<16xi32>,
      %ne3A_162 = arith.constant 0 : i32
      %ne3A_163 = vector.broadcast %ne3A_162 : i32 to vector<16xi32>
      %ne3A_164 = arith.cmpi ne, %get3A_161, %ne3A_163 : vector<16xi32>
      %convert_element_type3A_165 = arith.extui %ne3A_164 : vector<16xi1> to vector<16xi32>
      %broadcast_in_dim3A_166 = arith.constant true
      %broadcast_in_dim3A_167 = vector.broadcast %broadcast_in_dim3A_166 : i1 to vector<16xi1>
      %masked_cumsum3A_168 = tpu.scan <sum>, %convert_element_type3A_165 masked %broadcast_in_dim3A_167 : vector<16xi32>, vector<16xi1> -> vector<16xi32>
      %add3A_169 = arith.addi %masked_cumsum3A_168, %add3A_159 : vector<16xi32>
      %jit3A_170 = arith.constant 0 : i32
      %broadcast_in_dim3A_171 = vector.broadcast %jit3A_170 : i32 to vector<16xi32>
      %select_n3A_172 = arith.select %ne3A_164, %add3A_169, %broadcast_in_dim3A_171 : vector<16xi1>, vector<16xi32>
      %swap3A_173 = arith.constant 16 : index
      %swap3A_174 = tpu.vector_load %arg9[%swap3A_173] {strides = array<i32>} : memref<80xi32, #tpu.memory_space<vmem>>, vector<16xi32>,
      tpu.vector_store %arg9[%swap3A_173], %select_n3A_172 {strides = array<i32>} : memref<80xi32, #tpu.memory_space<vmem>>, vector<16xi32>,
      %all_reduce_population_count3A_175 = tpu.all_reduce %ne3A_164 {dim = 0 : i64, kind = #tpu.reduction_kind<sum>} : vector<16xi1> -> vector<16xi32>
      %add3A_176 = arith.addi %add3A_159, %all_reduce_population_count3A_175 : vector<16xi32>
      %get3A_177 = arith.constant 32 : index
      %get3A_178 = tpu.vector_load %arg7[%get3A_177] {strides = array<i32>} : memref<80xi32, #tpu.memory_space<vmem>>, vector<16xi32>,
      %ne3A_179 = arith.constant 0 : i32
      %ne3A_180 = vector.broadcast %ne3A_179 : i32 to vector<16xi32>
      %ne3A_181 = arith.cmpi ne, %get3A_178, %ne3A_180 : vector<16xi32>
      %convert_element_type3A_182 = arith.extui %ne3A_181 : vector<16xi1> to vector<16xi32>
      %broadcast_in_dim3A_183 = arith.constant true
      %broadcast_in_dim3A_184 = vector.broadcast %broadcast_in_dim3A_183 : i1 to vector<16xi1>
      %masked_cumsum3A_185 = tpu.scan <sum>, %convert_element_type3A_182 masked %broadcast_in_dim3A_184 : vector<16xi32>, vector<16xi1> -> vector<16xi32>
      %add3A_186 = arith.addi %masked_cumsum3A_185, %add3A_176 : vector<16xi32>
      %jit3A_187 = arith.constant 0 : i32
      %broadcast_in_dim3A_188 = vector.broadcast %jit3A_187 : i32 to vector<16xi32>
      %select_n3A_189 = arith.select %ne3A_181, %add3A_186, %broadcast_in_dim3A_188 : vector<16xi1>, vector<16xi32>
      %swap3A_190 = arith.constant 32 : index
      %swap3A_191 = tpu.vector_load %arg9[%swap3A_190] {strides = array<i32>} : memref<80xi32, #tpu.memory_space<vmem>>, vector<16xi32>,
      tpu.vector_store %arg9[%swap3A_190], %select_n3A_189 {strides = array<i32>} : memref<80xi32, #tpu.memory_space<vmem>>, vector<16xi32>,
      %all_reduce_population_count3A_192 = tpu.all_reduce %ne3A_181 {dim = 0 : i64, kind = #tpu.reduction_kind<sum>} : vector<16xi1> -> vector<16xi32>
      %add3A_193 = arith.addi %add3A_176, %all_reduce_population_count3A_192 : vector<16xi32>
      %get3A_194 = arith.constant 48 : index
      %get3A_195 = tpu.vector_load %arg7[%get3A_194] {strides = array<i32>} : memref<80xi32, #tpu.memory_space<vmem>>, vector<16xi32>,
      %ne3A_196 = arith.constant 0 : i32
      %ne3A_197 = vector.broadcast %ne3A_196 : i32 to vector<16xi32>
      %ne3A_198 = arith.cmpi ne, %get3A_195, %ne3A_197 : vector<16xi32>
      %convert_element_type3A_199 = arith.extui %ne3A_198 : vector<16xi1> to vector<16xi32>
      %broadcast_in_dim3A_200 = arith.constant true
      %broadcast_in_dim3A_201 = vector.broadcast %broadcast_in_dim3A_200 : i1 to vector<16xi1>
      %masked_cumsum3A_202 = tpu.scan <sum>, %convert_element_type3A_199 masked %broadcast_in_dim3A_201 : vector<16xi32>, vector<16xi1> -> vector<16xi32>
      %add3A_203 = arith.addi %masked_cumsum3A_202, %add3A_193 : vector<16xi32>
      %jit3A_204 = arith.constant 0 : i32
      %broadcast_in_dim3A_205 = vector.broadcast %jit3A_204 : i32 to vector<16xi32>
      %select_n3A_206 = arith.select %ne3A_198, %add3A_203, %broadcast_in_dim3A_205 : vector<16xi1>, vector<16xi32>
      %swap3A_207 = arith.constant 48 : index
      %swap3A_208 = tpu.vector_load %arg9[%swap3A_207] {strides = array<i32>} : memref<80xi32, #tpu.memory_space<vmem>>, vector<16xi32>,
      tpu.vector_store %arg9[%swap3A_207], %select_n3A_206 {strides = array<i32>} : memref<80xi32, #tpu.memory_space<vmem>>, vector<16xi32>,
      %all_reduce_population_count3A_209 = tpu.all_reduce %ne3A_198 {dim = 0 : i64, kind = #tpu.reduction_kind<sum>} : vector<16xi1> -> vector<16xi32>
      %add3A_210 = arith.addi %add3A_193, %all_reduce_population_count3A_209 : vector<16xi32>
      %get3A_211 = arith.constant 64 : index
      %get3A_212 = tpu.vector_load %arg7[%get3A_211] {strides = array<i32>} : memref<80xi32, #tpu.memory_space<vmem>>, vector<16xi32>,
      %lt3A = arith.constant 8 : i32
      %lt3A_213 = vector.broadcast %lt3A : i32 to vector<16xi32>
      %lt3A_214 = arith.cmpi slt, %iota3A, %lt3A_213 : vector<16xi32>
      %jit3A_215 = arith.constant 0 : i32
      %broadcast_in_dim3A_216 = vector.broadcast %jit3A_215 : i32 to vector<16xi32>
      %select_n3A_217 = arith.select %lt3A_214, %get3A_212, %broadcast_in_dim3A_216 : vector<16xi1>, vector<16xi32>
      %swap3A_218 = arith.constant 64 : index
      %swap3A_219 = tpu.vector_load %arg7[%swap3A_218] {strides = array<i32>} : memref<80xi32, #tpu.memory_space<vmem>>, vector<16xi32>,
      tpu.vector_store %arg7[%swap3A_218], %select_n3A_217 {strides = array<i32>} : memref<80xi32, #tpu.memory_space<vmem>>, vector<16xi32>,
      %ne3A_220 = arith.constant 0 : i32
      %ne3A_221 = vector.broadcast %ne3A_220 : i32 to vector<16xi32>
      %ne3A_222 = arith.cmpi ne, %select_n3A_217, %ne3A_221 : vector<16xi32>
      %convert_element_type3A_223 = arith.extui %ne3A_222 : vector<16xi1> to vector<16xi32>
      %broadcast_in_dim3A_224 = arith.constant true
      %broadcast_in_dim3A_225 = vector.broadcast %broadcast_in_dim3A_224 : i1 to vector<16xi1>
      %masked_cumsum3A_226 = tpu.scan <sum>, %convert_element_type3A_223 masked %broadcast_in_dim3A_225 : vector<16xi32>, vector<16xi1> -> vector<16xi32>
      %add3A_227 = arith.addi %masked_cumsum3A_226, %add3A_210 : vector<16xi32>
      %jit3A_228 = arith.constant 0 : i32
      %broadcast_in_dim3A_229 = vector.broadcast %jit3A_228 : i32 to vector<16xi32>
      %select_n3A_230 = arith.select %ne3A_222, %add3A_227, %broadcast_in_dim3A_229 : vector<16xi1>, vector<16xi32>
      %swap3A_231 = arith.constant 64 : index
      %swap3A_232 = tpu.vector_load %arg9[%swap3A_231] {strides = array<i32>} : memref<80xi32, #tpu.memory_space<vmem>>, vector<16xi32>,
      tpu.vector_store %arg9[%swap3A_231], %select_n3A_230 {strides = array<i32>} : memref<80xi32, #tpu.memory_space<vmem>>, vector<16xi32>,
      %all_reduce_population_count3A_233 = tpu.all_reduce %ne3A_222 {dim = 0 : i64, kind = #tpu.reduction_kind<sum>} : vector<16xi1> -> vector<16xi32>
      %add3A_234 = arith.addi %add3A_210, %all_reduce_population_count3A_233 : vector<16xi32>
      %dma_start3A = arith.constant 0 : i32
      %dma_start3A_235 = arith.constant 0 : i32
      %dma_start3A_236 = tpu.memref_slice %arg3[%dma_start3A, %dma_start3A_235] : memref<1000000x64xf32, #tpu.memory_space<hbm>> -> memref<1000000x64xf32, #tpu.memory_space<hbm>>
      tpu.enqueue_indirect_dma source(%dma_start3A_236 : memref<1000000x64xf32, #tpu.memory_space<hbm>>) target(%arg10 : memref<128x64xf32, #tpu.memory_space<vmem>>) offsets(%arg6 : memref<128xi32, #tpu.memory_space<vmem>>) semaphore(%arg14 : memref<!tpu.dma_semaphore, #tpu.memory_space<semaphore_mem>>)
      %dma_start3A_237 = arith.constant 0 : i32
      %dma_start3A_238 = arith.constant 0 : i32
      %dma_start3A_239 = tpu.memref_slice %arg3[%dma_start3A_237, %dma_start3A_238] : memref<1000000x64xf32, #tpu.memory_space<hbm>> -> memref<1000000x64xf32, #tpu.memory_space<hbm>>
      tpu.enqueue_indirect_dma source(%dma_start3A_239 : memref<1000000x64xf32, #tpu.memory_space<hbm>>) target(%arg11 : memref<80x64xf32, #tpu.memory_space<vmem>>) offsets(%arg7 : memref<80xi32, #tpu.memory_space<vmem>>) semaphore(%arg14 : memref<!tpu.dma_semaphore, #tpu.memory_space<semaphore_mem>>)
      %dma_start3A_240 = arith.constant 0 : i32
      %dma_start3A_241 = arith.constant 0 : i32
      %dma_start3A_242 = tpu.memref_slice %arg4[%dma_start3A_240, %dma_start3A_241] : memref<513x64xf32, #tpu.memory_space<hbm>> -> memref<513x64xf32, #tpu.memory_space<hbm>>
      tpu.enqueue_indirect_dma source(%dma_start3A_242 : memref<513x64xf32, #tpu.memory_space<hbm>>) target(%arg12 : memref<128x64xf32, #tpu.memory_space<vmem>>) offsets(%arg8 : memref<128xi32, #tpu.memory_space<vmem>>) semaphore(%arg14 : memref<!tpu.dma_semaphore, #tpu.memory_space<semaphore_mem>>)
      %dma_start3A_243 = arith.constant 0 : i32
      %dma_start3A_244 = arith.constant 0 : i32
      %dma_start3A_245 = tpu.memref_slice %arg4[%dma_start3A_243, %dma_start3A_244] : memref<513x64xf32, #tpu.memory_space<hbm>> -> memref<513x64xf32, #tpu.memory_space<hbm>>
      tpu.enqueue_indirect_dma source(%dma_start3A_245 : memref<513x64xf32, #tpu.memory_space<hbm>>) target(%arg13 : memref<80x64xf32, #tpu.memory_space<vmem>>) offsets(%arg9 : memref<80xi32, #tpu.memory_space<vmem>>) semaphore(%arg14 : memref<!tpu.dma_semaphore, #tpu.memory_space<semaphore_mem>>)
      %dma_wait3A = arith.constant 0 : i32
      %dma_wait3A_246 = arith.constant 0 : i32
      %dma_wait3A_247 = tpu.memref_slice %arg3[%dma_wait3A, %dma_wait3A_246] : memref<1000000x64xf32, #tpu.memory_space<hbm>> -> memref<1000000x64xf32, #tpu.memory_space<hbm>>
      tpu.wait_indirect_dma semaphore(%arg14 : memref<!tpu.dma_semaphore, #tpu.memory_space<semaphore_mem>>) src(%dma_wait3A_247 : memref<1000000x64xf32, #tpu.memory_space<hbm>>) dst(%arg10 : memref<128x64xf32, #tpu.memory_space<vmem>>)
      %dma_wait3A_248 = arith.constant 0 : i32
      %dma_wait3A_249 = arith.constant 0 : i32
      %dma_wait3A_250 = tpu.memref_slice %arg3[%dma_wait3A_248, %dma_wait3A_249] : memref<1000000x64xf32, #tpu.memory_space<hbm>> -> memref<1000000x64xf32, #tpu.memory_space<hbm>>
      tpu.wait_indirect_dma semaphore(%arg14 : memref<!tpu.dma_semaphore, #tpu.memory_space<semaphore_mem>>) src(%dma_wait3A_250 : memref<1000000x64xf32, #tpu.memory_space<hbm>>) dst(%arg11 : memref<80x64xf32, #tpu.memory_space<vmem>>)
      %dma_wait3A_251 = arith.constant 0 : i32
      %dma_wait3A_252 = arith.constant 0 : i32
      %dma_wait3A_253 = tpu.memref_slice %arg4[%dma_wait3A_251, %dma_wait3A_252] : memref<513x64xf32, #tpu.memory_space<hbm>> -> memref<513x64xf32, #tpu.memory_space<hbm>>
      tpu.wait_indirect_dma semaphore(%arg14 : memref<!tpu.dma_semaphore, #tpu.memory_space<semaphore_mem>>) src(%dma_wait3A_253 : memref<513x64xf32, #tpu.memory_space<hbm>>) dst(%arg12 : memref<128x64xf32, #tpu.memory_space<vmem>>)
      %dma_wait3A_254 = arith.constant 0 : i32
      %dma_wait3A_255 = arith.constant 0 : i32
      %dma_wait3A_256 = tpu.memref_slice %arg4[%dma_wait3A_254, %dma_wait3A_255] : memref<513x64xf32, #tpu.memory_space<hbm>> -> memref<513x64xf32, #tpu.memory_space<hbm>>
      tpu.wait_indirect_dma semaphore(%arg14 : memref<!tpu.dma_semaphore, #tpu.memory_space<semaphore_mem>>) src(%dma_wait3A_256 : memref<513x64xf32, #tpu.memory_space<hbm>>) dst(%arg13 : memref<80x64xf32, #tpu.memory_space<vmem>>)
      %scan3A_257 = arith.constant 0 : i32
      %scan3A_258 = arith.constant 0 : i32
      %scan3A_259 = arith.constant 128 : i32
      %scan3A_260 = arith.addi %scan3A_258, %scan3A_259 : i32
      %scan3A_261 = arith.constant 1 : i32
      scf.for %scan3A_269 = %scan3A_258 to %scan3A_260 step %scan3A_261  : i32 {
        %get3A_270 = arith.index_cast %scan3A_269 : i32 to index
        %get3A_271 = arith.constant 0 : index
        %get3A_272 = tpu.vector_load %arg10[%get3A_270, %get3A_271] {strides = array<i32>} : memref<128x64xf32, #tpu.memory_space<vmem>>, vector<16xf32>,
        %get3A_273 = arith.index_cast %scan3A_269 : i32 to index
        %get3A_274 = arith.constant 0 : index
        %get3A_275 = tpu.vector_load %arg12[%get3A_273, %get3A_274] {strides = array<i32>} : memref<128x64xf32, #tpu.memory_space<vmem>>, vector<16xf32>,
        %add3A_276 = arith.addf %get3A_272, %get3A_275 : vector<16xf32>
        %swap3A_277 = arith.index_cast %scan3A_269 : i32 to index
        %swap3A_278 = arith.constant 0 : index
        %swap3A_279 = tpu.vector_load %arg10[%swap3A_277, %swap3A_278] {strides = array<i32>} : memref<128x64xf32, #tpu.memory_space<vmem>>, vector<16xf32>,
        tpu.vector_store %arg10[%swap3A_277, %swap3A_278], %add3A_276 {strides = array<i32>} : memref<128x64xf32, #tpu.memory_space<vmem>>, vector<16xf32>,
        %get3A_280 = arith.index_cast %scan3A_269 : i32 to index
        %get3A_281 = arith.constant 16 : index
        %get3A_282 = tpu.vector_load %arg10[%get3A_280, %get3A_281] {strides = array<i32>} : memref<128x64xf32, #tpu.memory_space<vmem>>, vector<16xf32>,
        %get3A_283 = arith.index_cast %scan3A_269 : i32 to index
        %get3A_284 = arith.constant 16 : index
        %get3A_285 = tpu.vector_load %arg12[%get3A_283, %get3A_284] {strides = array<i32>} : memref<128x64xf32, #tpu.memory_space<vmem>>, vector<16xf32>,
        %add3A_286 = arith.addf %get3A_282, %get3A_285 : vector<16xf32>
        %swap3A_287 = arith.index_cast %scan3A_269 : i32 to index
        %swap3A_288 = arith.constant 16 : index
        %swap3A_289 = tpu.vector_load %arg10[%swap3A_287, %swap3A_288] {strides = array<i32>} : memref<128x64xf32, #tpu.memory_space<vmem>>, vector<16xf32>,
        tpu.vector_store %arg10[%swap3A_287, %swap3A_288], %add3A_286 {strides = array<i32>} : memref<128x64xf32, #tpu.memory_space<vmem>>, vector<16xf32>,
        %get3A_290 = arith.index_cast %scan3A_269 : i32 to index
        %get3A_291 = arith.constant 32 : index
        %get3A_292 = tpu.vector_load %arg10[%get3A_290, %get3A_291] {strides = array<i32>} : memref<128x64xf32, #tpu.memory_space<vmem>>, vector<16xf32>,
        %get3A_293 = arith.index_cast %scan3A_269 : i32 to index
        %get3A_294 = arith.constant 32 : index
        %get3A_295 = tpu.vector_load %arg12[%get3A_293, %get3A_294] {strides = array<i32>} : memref<128x64xf32, #tpu.memory_space<vmem>>, vector<16xf32>,
        %add3A_296 = arith.addf %get3A_292, %get3A_295 : vector<16xf32>
        %swap3A_297 = arith.index_cast %scan3A_269 : i32 to index
        %swap3A_298 = arith.constant 32 : index
        %swap3A_299 = tpu.vector_load %arg10[%swap3A_297, %swap3A_298] {strides = array<i32>} : memref<128x64xf32, #tpu.memory_space<vmem>>, vector<16xf32>,
        tpu.vector_store %arg10[%swap3A_297, %swap3A_298], %add3A_296 {strides = array<i32>} : memref<128x64xf32, #tpu.memory_space<vmem>>, vector<16xf32>,
        %get3A_300 = arith.index_cast %scan3A_269 : i32 to index
        %get3A_301 = arith.constant 48 : index
        %get3A_302 = tpu.vector_load %arg10[%get3A_300, %get3A_301] {strides = array<i32>} : memref<128x64xf32, #tpu.memory_space<vmem>>, vector<16xf32>,
        %get3A_303 = arith.index_cast %scan3A_269 : i32 to index
        %get3A_304 = arith.constant 48 : index
        %get3A_305 = tpu.vector_load %arg12[%get3A_303, %get3A_304] {strides = array<i32>} : memref<128x64xf32, #tpu.memory_space<vmem>>, vector<16xf32>,
        %add3A_306 = arith.addf %get3A_302, %get3A_305 : vector<16xf32>
        %swap3A_307 = arith.index_cast %scan3A_269 : i32 to index
        %swap3A_308 = arith.constant 48 : index
        %swap3A_309 = tpu.vector_load %arg10[%swap3A_307, %swap3A_308] {strides = array<i32>} : memref<128x64xf32, #tpu.memory_space<vmem>>, vector<16xf32>,
        tpu.vector_store %arg10[%swap3A_307, %swap3A_308], %add3A_306 {strides = array<i32>} : memref<128x64xf32, #tpu.memory_space<vmem>>, vector<16xf32>,
      }
      %scan3A_262 = arith.constant 128 : i32
      %scan3A_263 = arith.constant 0 : i32
      %scan3A_264 = arith.constant 0 : i32
      %scan3A_265 = arith.constant 72 : i32
      %scan3A_266 = arith.addi %scan3A_264, %scan3A_265 : i32
      %scan3A_267 = arith.constant 1 : i32
      scf.for %scan3A_269 = %scan3A_264 to %scan3A_266 step %scan3A_267  : i32 {
        %get3A_270 = arith.index_cast %scan3A_269 : i32 to index
        %get3A_271 = arith.constant 0 : index
        %get3A_272 = tpu.vector_load %arg11[%get3A_270, %get3A_271] {strides = array<i32>} : memref<80x64xf32, #tpu.memory_space<vmem>>, vector<16xf32>,
        %get3A_273 = arith.index_cast %scan3A_269 : i32 to index
        %get3A_274 = arith.constant 0 : index
        %get3A_275 = tpu.vector_load %arg13[%get3A_273, %get3A_274] {strides = array<i32>} : memref<80x64xf32, #tpu.memory_space<vmem>>, vector<16xf32>,
        %add3A_276 = arith.addf %get3A_272, %get3A_275 : vector<16xf32>
        %swap3A_277 = arith.index_cast %scan3A_269 : i32 to index
        %swap3A_278 = arith.constant 0 : index
        %swap3A_279 = tpu.vector_load %arg11[%swap3A_277, %swap3A_278] {strides = array<i32>} : memref<80x64xf32, #tpu.memory_space<vmem>>, vector<16xf32>,
        tpu.vector_store %arg11[%swap3A_277, %swap3A_278], %add3A_276 {strides = array<i32>} : memref<80x64xf32, #tpu.memory_space<vmem>>, vector<16xf32>,
        %get3A_280 = arith.index_cast %scan3A_269 : i32 to index
        %get3A_281 = arith.constant 16 : index
        %get3A_282 = tpu.vector_load %arg11[%get3A_280, %get3A_281] {strides = array<i32>} : memref<80x64xf32, #tpu.memory_space<vmem>>, vector<16xf32>,
        %get3A_283 = arith.index_cast %scan3A_269 : i32 to index
        %get3A_284 = arith.constant 16 : index
        %get3A_285 = tpu.vector_load %arg13[%get3A_283, %get3A_284] {strides = array<i32>} : memref<80x64xf32, #tpu.memory_space<vmem>>, vector<16xf32>,
        %add3A_286 = arith.addf %get3A_282, %get3A_285 : vector<16xf32>
        %swap3A_287 = arith.index_cast %scan3A_269 : i32 to index
        %swap3A_288 = arith.constant 16 : index
        %swap3A_289 = tpu.vector_load %arg11[%swap3A_287, %swap3A_288] {strides = array<i32>} : memref<80x64xf32, #tpu.memory_space<vmem>>, vector<16xf32>,
        tpu.vector_store %arg11[%swap3A_287, %swap3A_288], %add3A_286 {strides = array<i32>} : memref<80x64xf32, #tpu.memory_space<vmem>>, vector<16xf32>,
        %get3A_290 = arith.index_cast %scan3A_269 : i32 to index
        %get3A_291 = arith.constant 32 : index
        %get3A_292 = tpu.vector_load %arg11[%get3A_290, %get3A_291] {strides = array<i32>} : memref<80x64xf32, #tpu.memory_space<vmem>>, vector<16xf32>,
        %get3A_293 = arith.index_cast %scan3A_269 : i32 to index
        %get3A_294 = arith.constant 32 : index
        %get3A_295 = tpu.vector_load %arg13[%get3A_293, %get3A_294] {strides = array<i32>} : memref<80x64xf32, #tpu.memory_space<vmem>>, vector<16xf32>,
        %add3A_296 = arith.addf %get3A_292, %get3A_295 : vector<16xf32>
        %swap3A_297 = arith.index_cast %scan3A_269 : i32 to index
        %swap3A_298 = arith.constant 32 : index
        %swap3A_299 = tpu.vector_load %arg11[%swap3A_297, %swap3A_298] {strides = array<i32>} : memref<80x64xf32, #tpu.memory_space<vmem>>, vector<16xf32>,
        tpu.vector_store %arg11[%swap3A_297, %swap3A_298], %add3A_296 {strides = array<i32>} : memref<80x64xf32, #tpu.memory_space<vmem>>, vector<16xf32>,
        %get3A_300 = arith.index_cast %scan3A_269 : i32 to index
        %get3A_301 = arith.constant 48 : index
        %get3A_302 = tpu.vector_load %arg11[%get3A_300, %get3A_301] {strides = array<i32>} : memref<80x64xf32, #tpu.memory_space<vmem>>, vector<16xf32>,
        %get3A_303 = arith.index_cast %scan3A_269 : i32 to index
        %get3A_304 = arith.constant 48 : index
        %get3A_305 = tpu.vector_load %arg13[%get3A_303, %get3A_304] {strides = array<i32>} : memref<80x64xf32, #tpu.memory_space<vmem>>, vector<16xf32>,
        %add3A_306 = arith.addf %get3A_302, %get3A_305 : vector<16xf32>
        %swap3A_307 = arith.index_cast %scan3A_269 : i32 to index
        %swap3A_308 = arith.constant 48 : index
        %swap3A_309 = tpu.vector_load %arg11[%swap3A_307, %swap3A_308] {strides = array<i32>} : memref<80x64xf32, #tpu.memory_space<vmem>>, vector<16xf32>,
        tpu.vector_store %arg11[%swap3A_307, %swap3A_308], %add3A_306 {strides = array<i32>} : memref<80x64xf32, #tpu.memory_space<vmem>>, vector<16xf32>,
      }
      %scan3A_268 = arith.constant 72 : i32
      "tpu.region"() ({
        %run_scoped3A = tpu.sem_alloc : memref<!tpu.dma_semaphore, #tpu.memory_space<semaphore_mem>>
        %dma_start3A_269 = arith.constant 0 : i32
        %dma_start3A_270 = arith.constant 0 : i32
        %dma_start3A_271 = tpu.memref_slice %arg5[%add3A_9, %dma_start3A_269, %dma_start3A_270] : memref<4096x200x64xf32, #tpu.memory_space<hbm>> -> memref<1x200x64xf32, #tpu.memory_space<hbm>>
        %dma_start3A_272 = tpu.memref_squeeze %dma_start3A_271 : memref<1x200x64xf32, #tpu.memory_space<hbm>> -> memref<200x64xf32, #tpu.memory_space<hbm>>
        %dma_start3A_273 = arith.constant 0 : i32
        %dma_start3A_274 = arith.constant 0 : i32
        %dma_start3A_275 = tpu.memref_slice %dma_start3A_272[%dma_start3A_273, %dma_start3A_274] : memref<200x64xf32, #tpu.memory_space<hbm>> -> memref<128x64xf32, #tpu.memory_space<hbm>>
        %dma_start3A_276 = arith.constant 0 : i32
        %dma_start3A_277 = arith.constant 0 : i32
        %dma_start3A_278 = tpu.memref_slice %arg5[%add3A_9, %dma_start3A_276, %dma_start3A_277] : memref<4096x200x64xf32, #tpu.memory_space<hbm>> -> memref<1x200x64xf32, #tpu.memory_space<hbm>>
        %dma_start3A_279 = tpu.memref_squeeze %dma_start3A_278 : memref<1x200x64xf32, #tpu.memory_space<hbm>> -> memref<200x64xf32, #tpu.memory_space<hbm>>
        %dma_start3A_280 = arith.constant 0 : i32
        %dma_start3A_281 = arith.constant 0 : i32
        %dma_start3A_282 = tpu.memref_slice %dma_start3A_279[%dma_start3A_280, %dma_start3A_281] : memref<200x64xf32, #tpu.memory_space<hbm>> -> memref<128x64xf32, #tpu.memory_space<hbm>>
        tpu.enqueue_dma source(%arg10 : memref<128x64xf32, #tpu.memory_space<vmem>>) target(%dma_start3A_282 : memref<128x64xf32, #tpu.memory_space<hbm>>) target_semaphore(%run_scoped3A : memref<!tpu.dma_semaphore, #tpu.memory_space<semaphore_mem>>)
        %dma_wait3A_283 = arith.constant 0 : i32
        %dma_wait3A_284 = arith.constant 0 : i32
        %dma_wait3A_285 = tpu.memref_slice %arg5[%add3A_9, %dma_wait3A_283, %dma_wait3A_284] : memref<4096x200x64xf32, #tpu.memory_space<hbm>> -> memref<1x200x64xf32, #tpu.memory_space<hbm>>
        %dma_wait3A_286 = tpu.memref_squeeze %dma_wait3A_285 : memref<1x200x64xf32, #tpu.memory_space<hbm>> -> memref<200x64xf32, #tpu.memory_space<hbm>>
        %dma_wait3A_287 = arith.constant 0 : i32
        %dma_wait3A_288 = arith.constant 0 : i32
        %dma_wait3A_289 = tpu.memref_slice %dma_wait3A_286[%dma_wait3A_287, %dma_wait3A_288] : memref<200x64xf32, #tpu.memory_space<hbm>> -> memref<128x64xf32, #tpu.memory_space<hbm>>
        %dma_wait3A_290 = arith.constant 0 : i32
        %dma_wait3A_291 = arith.constant 0 : i32
        %dma_wait3A_292 = tpu.memref_slice %arg5[%add3A_9, %dma_wait3A_290, %dma_wait3A_291] : memref<4096x200x64xf32, #tpu.memory_space<hbm>> -> memref<1x200x64xf32, #tpu.memory_space<hbm>>
        %dma_wait3A_293 = tpu.memref_squeeze %dma_wait3A_292 : memref<1x200x64xf32, #tpu.memory_space<hbm>> -> memref<200x64xf32, #tpu.memory_space<hbm>>
        %dma_wait3A_294 = arith.constant 0 : i32
        %dma_wait3A_295 = arith.constant 0 : i32
        %dma_wait3A_296 = tpu.memref_slice %dma_wait3A_293[%dma_wait3A_294, %dma_wait3A_295] : memref<200x64xf32, #tpu.memory_space<hbm>> -> memref<128x64xf32, #tpu.memory_space<hbm>>
        tpu.wait_dma2 semaphore(%run_scoped3A : memref<!tpu.dma_semaphore, #tpu.memory_space<semaphore_mem>>) src(%arg10 : memref<128x64xf32, #tpu.memory_space<vmem>>) dst(%dma_wait3A_296 : memref<128x64xf32, #tpu.memory_space<hbm>>)
        tpu.yield
      }) : () -> ()
      "tpu.region"() ({
        %run_scoped3A = tpu.sem_alloc : memref<!tpu.dma_semaphore, #tpu.memory_space<semaphore_mem>>
        %dma_start3A_269 = arith.constant 0 : i32
        %dma_start3A_270 = arith.constant 0 : i32
        %dma_start3A_271 = tpu.memref_slice %arg11[%dma_start3A_269, %dma_start3A_270] : memref<80x64xf32, #tpu.memory_space<vmem>> -> memref<72x64xf32, #tpu.memory_space<vmem>>
        %dma_start3A_272 = arith.constant 0 : i32
        %dma_start3A_273 = arith.constant 0 : i32
        %dma_start3A_274 = tpu.memref_slice %arg5[%add3A_9, %dma_start3A_272, %dma_start3A_273] : memref<4096x200x64xf32, #tpu.memory_space<hbm>> -> memref<1x200x64xf32, #tpu.memory_space<hbm>>
        %dma_start3A_275 = tpu.memref_squeeze %dma_start3A_274 : memref<1x200x64xf32, #tpu.memory_space<hbm>> -> memref<200x64xf32, #tpu.memory_space<hbm>>
        %dma_start3A_276 = arith.constant 128 : i32
        %dma_start3A_277 = arith.constant 0 : i32
        %dma_start3A_278 = tpu.memref_slice %dma_start3A_275[%dma_start3A_276, %dma_start3A_277] : memref<200x64xf32, #tpu.memory_space<hbm>> -> memref<72x64xf32, #tpu.memory_space<hbm>>
        %dma_start3A_279 = arith.constant 0 : i32
        %dma_start3A_280 = arith.constant 0 : i32
        %dma_start3A_281 = tpu.memref_slice %arg5[%add3A_9, %dma_start3A_279, %dma_start3A_280] : memref<4096x200x64xf32, #tpu.memory_space<hbm>> -> memref<1x200x64xf32, #tpu.memory_space<hbm>>
        %dma_start3A_282 = tpu.memref_squeeze %dma_start3A_281 : memref<1x200x64xf32, #tpu.memory_space<hbm>> -> memref<200x64xf32, #tpu.memory_space<hbm>>
        %dma_start3A_283 = arith.constant 128 : i32
        %dma_start3A_284 = arith.constant 0 : i32
        %dma_start3A_285 = tpu.memref_slice %dma_start3A_282[%dma_start3A_283, %dma_start3A_284] : memref<200x64xf32, #tpu.memory_space<hbm>> -> memref<72x64xf32, #tpu.memory_space<hbm>>
        %dma_start3A_286 = arith.constant 0 : i32
        %dma_start3A_287 = arith.constant 0 : i32
        %dma_start3A_288 = tpu.memref_slice %arg11[%dma_start3A_286, %dma_start3A_287] : memref<80x64xf32, #tpu.memory_space<vmem>> -> memref<72x64xf32, #tpu.memory_space<vmem>>
        tpu.enqueue_dma source(%dma_start3A_288 : memref<72x64xf32, #tpu.memory_space<vmem>>) target(%dma_start3A_285 : memref<72x64xf32, #tpu.memory_space<hbm>>) target_semaphore(%run_scoped3A : memref<!tpu.dma_semaphore, #tpu.memory_space<semaphore_mem>>)
        %dma_wait3A_289 = arith.constant 0 : i32
        %dma_wait3A_290 = arith.constant 0 : i32
        %dma_wait3A_291 = tpu.memref_slice %arg11[%dma_wait3A_289, %dma_wait3A_290] : memref<80x64xf32, #tpu.memory_space<vmem>> -> memref<72x64xf32, #tpu.memory_space<vmem>>
        %dma_wait3A_292 = arith.constant 0 : i32
        %dma_wait3A_293 = arith.constant 0 : i32
        %dma_wait3A_294 = tpu.memref_slice %arg5[%add3A_9, %dma_wait3A_292, %dma_wait3A_293] : memref<4096x200x64xf32, #tpu.memory_space<hbm>> -> memref<1x200x64xf32, #tpu.memory_space<hbm>>
        %dma_wait3A_295 = tpu.memref_squeeze %dma_wait3A_294 : memref<1x200x64xf32, #tpu.memory_space<hbm>> -> memref<200x64xf32, #tpu.memory_space<hbm>>
        %dma_wait3A_296 = arith.constant 128 : i32
        %dma_wait3A_297 = arith.constant 0 : i32
        %dma_wait3A_298 = tpu.memref_slice %dma_wait3A_295[%dma_wait3A_296, %dma_wait3A_297] : memref<200x64xf32, #tpu.memory_space<hbm>> -> memref<72x64xf32, #tpu.memory_space<hbm>>
        %dma_wait3A_299 = arith.constant 0 : i32
        %dma_wait3A_300 = arith.constant 0 : i32
        %dma_wait3A_301 = tpu.memref_slice %arg5[%add3A_9, %dma_wait3A_299, %dma_wait3A_300] : memref<4096x200x64xf32, #tpu.memory_space<hbm>> -> memref<1x200x64xf32, #tpu.memory_space<hbm>>
        %dma_wait3A_302 = tpu.memref_squeeze %dma_wait3A_301 : memref<1x200x64xf32, #tpu.memory_space<hbm>> -> memref<200x64xf32, #tpu.memory_space<hbm>>
        %dma_wait3A_303 = arith.constant 128 : i32
        %dma_wait3A_304 = arith.constant 0 : i32
        %dma_wait3A_305 = tpu.memref_slice %dma_wait3A_302[%dma_wait3A_303, %dma_wait3A_304] : memref<200x64xf32, #tpu.memory_space<hbm>> -> memref<72x64xf32, #tpu.memory_space<hbm>>
        %dma_wait3A_306 = arith.constant 0 : i32
        %dma_wait3A_307 = arith.constant 0 : i32
        %dma_wait3A_308 = tpu.memref_slice %arg11[%dma_wait3A_306, %dma_wait3A_307] : memref<80x64xf32, #tpu.memory_space<vmem>> -> memref<72x64xf32, #tpu.memory_space<vmem>>
        tpu.wait_dma2 semaphore(%run_scoped3A : memref<!tpu.dma_semaphore, #tpu.memory_space<semaphore_mem>>) src(%dma_wait3A_308 : memref<72x64xf32, #tpu.memory_space<vmem>>) dst(%dma_wait3A_305 : memref<72x64xf32, #tpu.memory_space<hbm>>)
        tpu.yield
      }) : () -> ()
    }
    %scan3A_5 = arith.constant 128 : i32
    return
  }
}

</mosaic_0001>

<sc_bundles>
// kernel: _emb.3.cloned.1.call-start
scs
__scs_entry_jumppad:
0x0: {  	(pc) =	sbr.rel $0x88, $3  }
0x1: {  	(tag) =	ssettag $0x0;
	lr =	simm.s32 $0x1  }
0x2: {  	[smem:$0x3F9E] =	sst lr;
	_ =	strace $0xD0000000  }
0x3: {  	_ = 	snop  }
0x4: {  	_ = 	snop  }
0x5: {  	_ = 	snop  }
0x6: {  	_ = 	snop  }
0x7: {  	_ = 	snop  }
__scs_overlays_trampoline_lowered:
0x8: {  	[smem:$0x3FAD] =	sst s0  }
0x9: {  	[smem:$0x3FAE] =	sst s1  }
0xa: {  	[smem:$0x3FAF] =	sst s2  }
0xb: {  	[smem:$0x3FB0] =	sst s3  }
0xc: {  	[smem:$0x3FB1] =	sst s4  }
0xd: {  	[smem:$0x3FB2] =	sst s5  }
0xe: {  	[smem:$0x3FB3] =	sst s6  }
0xf: {  	[smem:$0x3FB4] =	sst s7  }
0x10: {  	[smem:$0x3FB5] =	sst s8  }
0x11: {  	[smem:$0x3FB6] =	sst s9;
	s0 =	simm.s32 @!p0 $0x0  }
0x12: {  	s1 =	sld [smem:$0x3F9C];
	s0 =	simm.s32 @p0 $0x1  }
0x13: {  	[smem:$0x3FB7] =	sst s0;
	s0 =	simm.s32 @!p1 $0x0  }
0x14: {  	s2 =	sld [smem:$0x3F9B];
	s0 =	simm.s32 @p1 $0x1  }
0x15: {  	[smem:$0x3FB8] =	sst s0;
	s0 =	simm.s32 @!p2 $0x0  }
0x16: {  	s3 =	sld [smem:$0x3FDB];
	s0 =	simm.s32 @p2 $0x1  }
0x17: {  	s4 =	simm.s32 $0x1BF5;
	[smem:$0x3FBA] =	sst s0  }
0x18: {  	s0 =	sld [smem:$0x3F9D];
	_ =	swait.ge [sflag:s4], $0x0  }
0x19: {  	s7 =	sld [smem:$0x3F9E]  }
0x1a: {  	s8 =	sadd.s32 $0xFFFFE003, lr  }
0x1b: {  	s9 =	sadd.s32 $0xFFFFFEF7, lr;
	s5 =	simm.s32 $0xFFFFFFFF;
	p2 =	slt.u32 s8, $0xFFFFF086  }
0x1c: {  	p1 =	slt.u32 s9, $0xF7A;
	s5 =	simm.s32 @!p2 $0x0  }
0x1d: {  	s5 =	simm.s32 @p1 $0x1;
	p0 =	seq.s32 s7, s2  }
0x1e: {  	s7 =	smul.u32 @!p0 $0xF7A, s2;
	p2 =	seq.s32 @!p0 s5, $0x0  }
0x1f: {  	s9 =	smul.u32 $0xF7A, s1;
	s8 =	simm.s32 @!p0 $0x1BF5;
	p2 =	por !p2, p0  }
0x20: {  	[sflag:s8] =	ssyncset.s32 @!p0 $0xFFFFF086;
	s6 =	sadd.s32 @!p0 s3, s7;
	s7 =	simm.s32 @!p0 $0x108  }
0x21: {  	s3 =	sadd.s32 s3, s9;
	s6 =	sadd.s32 @!p0 $0x88, s6;
	s7 =	simm.s32 @p2 $0x1082  }
0x22: {  	[simem:s7], [sflag:s8] =	dma.local @!p0 [hbm:s6], $0xF7A  }
0x23: {  	s9 =	sor.u32 $0xD0000000, s2;
	s6 =	simm.s32 $0x108;
	_ =	swait.ge @!p0 [sflag:s8], $0x0  }
0x24: {  	s3 =	sadd.s32 $0x88, s3;
	s6 =	simm.s32 @!p1 $0x1082;
	[sflag:s4] =	ssyncset.s32 $0xFFFFF086  }
0x25: {  	[simem:s6], [sflag:s4] =	dma.local [hbm:s3], $0xF7A  }
0x26: {  	[smem:$0x3F9E] =	sst s1;
	(tag) =	ssettag s2;
	_ =	strace s9  }
0x27: {  	s1 =	sld [smem:$0x3FAE]  }
0x28: {  	s2 =	sld [smem:$0x3FAF]  }
0x29: {  	s4 =	sld [smem:$0x3FB1]  }
0x2a: {  	p0 =	seq.s32 s5, $0x0;
	s5 =	sld [smem:$0x3FB2]  }
0x2b: {  	s6 =	sld [smem:$0x3FB3]  }
0x2c: {  	s7 =	sld [smem:$0x3FB4]  }
0x2d: {  	s3 =	simm.s32 $0x108;
	s8 =	sld [smem:$0x3FB5]  }
0x2e: {  	s3 =	simm.s32 @!p0 $0x1082;
	s9 =	sld [smem:$0x3FB6]  }
0x2f: {  	lr =	sadd.s32 s0, s3;
	s0 =	sld [smem:$0x3FAD]  }
0x30: {  	s3 =	sld [smem:$0x3FB0]  }
0x31: {  	[smem:$0x3FB9] =	sst s10  }
0x32: {  	s10 =	sld [smem:$0x3FB7];
	_ =	sdelay $0x3  }
0x33: {  	p0 =	seq.s32 s10, $0x1;
	s10 =	sld [smem:$0x3FB9];
	_ =	sdelay $0x3  }
0x34: {  	[smem:$0x3FB9] =	sst s10  }
0x35: {  	s10 =	sld [smem:$0x3FB8];
	_ =	sdelay $0x3  }
0x36: {  	p1 =	seq.s32 s10, $0x1;
	s10 =	sld [smem:$0x3FB9];
	_ =	sdelay $0x3  }
0x37: {  	[smem:$0x3FB9] =	sst s10  }
0x38: {  	s10 =	sld [smem:$0x3FBA]  }
0x39: {  	_ = 	snop;
	(pc) =	sbr.ind lr, $3  }
0x3a: {  	_ = 	snop  }
0x3b: {  	_ = 	snop  }
0x3c: {  	p2 =	seq.s32 s10, $0x1;
	s10 =	sld [smem:$0x3FB9]  }
0x3d: {  	_ =	shalt  }
0x3e: {  	_ =	shalt  }
0x3f: {  	_ =	shalt  }
0x40: {  	_ =	shalt  }
0x41: {  	_ =	shalt  }
0x42: {  	_ =	shalt  }
0x43: {  	_ =	shalt  }
0x44: {  	_ =	shalt  }
0x45: {  	_ =	shalt  }
0x46: {  	_ =	shalt  }
0x47: {  	_ =	shalt  }
0x48: {  	_ =	shalt  }
0x49: {  	_ =	shalt  }
0x4a: {  	_ =	shalt  }
0x4b: {  	_ =	shalt  }
0x4c: {  	_ =	shalt  }
0x4d: {  	_ =	shalt  }
0x4e: {  	_ =	shalt  }
0x4f: {  	_ =	shalt  }
0x50: {  	_ =	shalt  }
0x51: {  	_ =	shalt  }
0x52: {  	_ =	shalt  }
0x53: {  	_ =	shalt  }
0x54: {  	_ =	shalt  }
0x55: {  	_ =	shalt  }
0x56: {  	_ =	shalt  }
0x57: {  	_ =	shalt  }
0x58: {  	_ =	shalt  }
0x59: {  	_ =	shalt  }
0x5a: {  	_ =	shalt  }
0x5b: {  	_ =	shalt  }
0x5c: {  	_ =	shalt  }
0x5d: {  	_ =	shalt  }
0x5e: {  	_ =	shalt  }
0x5f: {  	_ =	shalt  }
0x60: {  	_ =	shalt  }
0x61: {  	_ =	shalt  }
0x62: {  	_ =	shalt  }
0x63: {  	_ =	shalt  }
0x64: {  	_ =	shalt  }
0x65: {  	_ =	shalt  }
0x66: {  	_ =	shalt  }
0x67: {  	_ =	shalt  }
0x68: {  	_ =	shalt  }
0x69: {  	_ =	shalt  }
0x6a: {  	_ =	shalt  }
0x6b: {  	_ =	shalt  }
0x6c: {  	_ =	shalt  }
0x6d: {  	_ =	shalt  }
0x6e: {  	_ =	shalt  }
0x6f: {  	_ =	shalt  }
0x70: {  	_ =	shalt  }
0x71: {  	_ =	shalt  }
0x72: {  	_ =	shalt  }
0x73: {  	_ =	shalt  }
0x74: {  	_ =	shalt  }
0x75: {  	_ =	shalt  }
0x76: {  	_ =	shalt  }
0x77: {  	_ =	shalt  }
0x78: {  	_ =	shalt  }
0x79: {  	_ =	shalt  }
0x7a: {  	_ =	shalt  }
0x7b: {  	_ =	shalt  }
0x7c: {  	_ =	shalt  }
0x7d: {  	_ =	shalt  }
0x7e: {  	_ =	shalt  }
0x7f: {  	_ =	shalt  }
0x80: {  	_ =	shalt  }
0x81: {  	_ =	shalt  }
0x82: {  	_ =	shalt  }
0x83: {  	_ =	shalt  }
0x84: {  	_ =	shalt  }
0x85: {  	_ =	shalt  }
0x86: {  	_ =	shalt  }
0x87: {  	_ =	shalt  }
.Lfunc_end0:
.L_simem_size_0:
called_computation.1_lowered:
.L_overlay_start_0:
0x88: {  	s2 =	sld [smem:$0x3FD9]  }
0x89: {  	s3 =	sld [smem:$0x3FFE];
	_ =	sdelay $0x1  }
0x8a: {  	s1 =	srdreg.scid  }
0x8b: {  	s0 =	sand.u32 $0x1, s1  }
0x8c: {  	s17 =	sshll.u32 s0, $0xA;
	s2 =	sadd.s32 s3, s2  }
0x8d: {  	s2 =	sadd.s32 s2, s17  }
0x8e: {  	[smem:$0x3FC5] =	sst s2  }
0x8f: {  	_ = 	snop  }
0x90: {  	s2 =	sld [smem:$0x3FD0];
	(tm) =	ssettm $0x1  }
0x91: {  	s18 =	sld [smem:$0x3FFB];
	_ =	sdelay $0x3  }
0x92: {  	_ =	strace s18  }
0x93: {  	s3 =	sld [smem:$0x3FFC];
	_ =	sdelay $0x3  }
0x94: {  	_ =	strace s3  }
0x95: {  	s3 =	sld [smem:$0x3FFD];
	_ =	sdelay $0x3  }
0x96: {  	_ =	strace s3  }
0x97: {  	_ =	strace $0x8FFFFFFF  }
0x98: {  	s19 =	sld [smem:$0x3FDB];
	_ =	sdelay $0x1  }
0x99: {  	s4 =	simm.s32 $_scs_section_size  }
0x9a: {  	s5 =	simm.s32 $_size__tile_overlayer_lowered;
	s6 =	simm.s32 $_tile_overlayer_lowered  }
0x9b: {  	s22 =	simm.s32 $0x1BFF;
	s21 =	sshll.u32 s6, $0x1;
	s3 =	sadd.s32 s4, s19  }
0x9c: {  	s7 =	simm.s32 $0x0;
	s20 =	sshll.u32 s5, $0x1;
	s5 =	sadd.s32 s21, s3  }
0x9d: {  	[timem:s7], [sflag:s22] =	dma.local [hbm:s5], s20  }
0x9e: {  	_ =	swait.ge [sflag:s22], s20  }
0x9f: {  	s4 =	ssub.s32 $0x0, s20;
	[sflag:s22] =	ssyncset.done $0x0  }
0xa0: {  	[sflag:s22] =	ssyncadd.s32 s4;
	_ =	sdelay $0x1  }
0xa1: {  	s23 =	simm.s32 $0x1B8B  }
0xa2: {  	_ =	swait.ge [sflag:s23], $0x1  }
0xa3: {  	[sflag:s23] =	ssyncset.done $0x0  }
0xa4: {  	s25 =	simm.s32 $0x1B8E;
	s24 =	sld [smem:$0x3FFE];
	[sflag:s23] =	ssyncadd.s32 $0xFFFFFFFF  }
0xa5: {  	s26 =	simm.s32 $execute0_lowered;
	[smem:$0x3FD2] =	sst s25  }
0xa6: {  	s5 =	sshll.u32 s26, $0x1;
	_ =	strace $0x80000046;
	[dreg:$0x1] =	wrdreg $0xFFFFFFFF  }
0xa7: {  	s28 =	simm.s32 $_size_execute0_lowered;
	s3 =	sadd.s32 s3, s5;
	[dreg:$0x0] =	wrdreg $0x0  }
0xa8: {  	s5 =	sshll.u32 s28, $0x1;
	[dreg:$0x2] =	wrdreg s3  }
0xa9: {  	[dreg:$0x3] =	wrdreg s5  }
0xaa: {  	[dreg:$0x4] =	wrdreg $0xC0  }
0xab: {  	_ =	task [dreg:s7], $0x5FFFF  }
0xac: {  	[dreg:$0x1] =	wrdreg $0xFFFFFFFF  }
0xad: {  	[dreg:$0x0] =	wrdreg $0x60  }
0xae: {  	[dreg:$0x2] =	wrdreg s24  }
0xaf: {  	[dreg:$0x3] =	wrdreg s2  }
0xb0: {  	[dreg:$0x4] =	wrdreg $0x9  }
0xb1: {  	_ =	task.clear_ibuf [dreg:s7], $0x5FFFF;
	_ =	strace $0x90000046  }
0xb2: {  	s29 =	simm.s32 $0x9;
	_ =	strace $0x80000048  }
0xb3: {  	_ =	swait.ge [sflag:s29], $0x1  }
0xb4: {  	[sflag:s29] =	ssyncadd.s32 $0xFFFFFFFF  }
0xb5: {  	_ =	strace $0x90000048  }
0xb6: {  	_ =	sfence  }
0xb7: {  	s30 =	sld [smem:$0x0];
	_ =	sdelay $0x2  }
0xb8: {  	s31 =	sshll.u32 s1, $0xD;
	s1 =	sshrl.u32 s1, $0x2  }
0xb9: {  	s3 =	sand.u32 $0x4000, s31;
	s1 =	sadd.s32 s1, s30  }
0xba: {  	s0 =	sor.u32 s3, s0;
	s1 =	sshll.u32 s1, $0x11  }
0xbb: {  	s0 =	sor.u32 s1, s0  }
0xbc: {  	s0 =	sadd.s32 $0x8F2B, s0  }
0xbd: {  	[sflag:s0] =	ssyncadd.remote.s32 $0x1  }
0xbe: {  	_ =	sfence.sel $0xFFFF  }
0xbf: {  	[dreg:$0x0] =	wrdreg $0xFFFFFFFF;
	(pc) =	sbr.abs _section_cstart, $3  }
0xc0: {  	[dreg:$0x1] =	wrdreg $0xFFFFFFFF  }
0xc1: {  	_ =	task.clear_ibuf [dreg:s7], $0x2FFFF;
	_ =	strace $0x9FFFFFFF  }
0xc2: {  	(tm) =	ssettm $0x7FFFFFFF  }
0xc3: {  	_ =	shalt  }
tec
execute0_lowered:
.L_overlay_start_1:
0x0: {  	(tag) =	ssettag $0x1  }
0x1: {  	s6 =	rddreg [dreg:$0x0]  }
0x2: {  	s1 =	rddreg [dreg:$0x1]  }
0x3: {  	s0 =	rddreg [dreg:$0x2]  }
0x4: {  	s2 =	simm.s32 $0x0;
	s3 =	srdreg.scid;
	s11 =	simm.s32 $0x1A0  }
0x5: {  	s12 =	simm.s32 $0x50;
	s13 =	simm.s32 $0x21A0;
	s14 =	simm.s32 $0xD0  }
0x6: {  	s15 =	simm.s32 $0x35A0;
	s16 =	simm.s32 $0x150;
	s17 =	simm.s32 $0x55A0  }
0x7: {  	s18 =	simm.s32 $0x1;
	s19 =	simm.s32 $0x0;
	[smem:$0x7FF] =	sst s2  }
0x8: {  	s4 =	sadd.s32 $0xC00, s6;
	s7 =	sand.u32 $0x1, s3;
	s5 =	sadd.s32 $0xF43000, s6  }
0x9: {  	s3 =	stileid.u32;
	s6 =	sadd.s32 $0x19C00, s6;
	s8 =	ssub.s32 $0x2, s7  }
0xa: {  	s10 =	sshll.u32 s3, $0x8;
	s7 =	sshll.u32 s7, $0x7;
	s9 =	sshrl.u32 s8, $0x1  }
0xb: {  	_ =	strace $0x80000047;
	s7 =	sor.u32 s7, s10;
	s8 =	ssub.s32 s8, s9  }
0xc: {  	v0 =	vimm.s32 $0x0;
	vm0 =	vmmov $0xff;
	s10 =	simm.s32 $0x80;
	s9 =	simm.s32 $0x2;
	s8 =	smax.u32 s8, $0x1  }
.LBB2_1:
0xd: {  	s20 =	simm.s32 $0x0  }
.LBB2_2:
0xe: {  	s21 =	sadd.s32 s7, s20  }
0xf: {  	s22 =	smul.u32 $0xC8, s21;
	_ =	sdelay $0x1  }
0x10: {  	s22 =	sshrl.u32 s22, $0x3  }
0x11: {  	s31 =	simm.s32 $0x0;
	s23 =	sadd.s32 s4, s22  }
0x12: {  	[tilespmem:s31], [sflag:$0x2] =	stream.linear.gather [hbm4b:s23+s31], $0x80, $0x38;
	[tilespmem:$0x69A0] =	vst v63  }
0x13: {  	_ =	swait.ge [sflag:s9], $0x80  }
0x14: {  	[sflag:s9] =	ssyncset.done $0x0  }
0x15: {  	s23 =	sadd.s32 $0x10, s23;
	[sflag:s9] =	ssyncadd.s32 $0xFFFFFF80  }
0x16: {  	[tilespmem:s10], [sflag:$0x2] =	stream.linear.gather [hbm4b:s23+s31], $0x48, $0x38;
	[tilespmem:$0x69A0] =	vst v63  }
0x17: {  	_ =	swait.ge [sflag:s9], $0x48  }
0x18: {  	[sflag:s9] =	ssyncset.done $0x0  }
0x19: {  	[sflag:s9] =	ssyncadd.s32 $0xFFFFFFB8  }
0x1a: {  	v1 =	vld [tilespmem:$0x0]  }
0x1b: {  	v2 =	vld [tilespmem:$0x10];
	_ =	sdelay $0x1  }
0x1c: {  	v3 =	vld [tilespmem:$0x20];
	_ =	sdelay $0x1  }
0x1d: {  	vm2 =	vne.s32 v1, $0x0;
	v1 =	vld [tilespmem:$0x30]  }
0x1e: {  	vm6 =	vne.s32 v2, $0x0;
	v2 =	vld [tilespmem:$0x40];
	v4 =	vsel vm2, $0x1, v0  }
0x1f: {  	(xrf0) =	vadd.scan.msk.s32 $0xffff, v4;
	v4 =	vsel vm6, $0x1, v0  }
0x20: {  	vm3 =	vne.s32 v3, $0x0;
	v3 =	vld [tilespmem:$0x50];
	(xrf0) =	vadd.scan.msk.s32 $0xffff, v4;
	_ =	sdelay $0x1  }
0x21: {  	v7 =	vld [tilespmem:$0x70];
	v4 =	vsel vm3, $0x1, v0;
	vm4 =	vne.s32 v1, $0x0  }
0x22: {  	(xrf0) =	vadd.scan.msk.s32 $0xffff, v4;
	vm1 =	vne.s32 v2, $0x0;
	v2 =	vld [tilespmem:$0x60];
	v1 =	vsel vm4, $0x1, v0  }
0x23: {  	(xrf0) =	vadd.scan.msk.s32 $0xffff, v1;
	v1 =	vsel vm1, $0x1, v0  }
0x24: {  	v5 =	vmpcnt.ones.xlane vm2;
	vm5 =	vne.s32 v3, $0x0;
	v4, _, _ =	vpop (xrf0);
	(xrf0) =	vadd.scan.msk.s32 $0xffff, v1  }
0x25: {  	v8 =	vmpcnt.ones.xlane vm3;
	v6 =	vsel vm5, $0x1, v0;
	v1 =	vnsel vm2, $0x0, v4;
	v4, _, _ =	vpop (xrf0)  }
0x26: {  	v10 =	vld [tilespmem:$0x90];
	(xrf0) =	vadd.scan.msk.s32 $0xffff, v6;
	v6 =	vmpcnt.ones.xlane vm4;
	v3 =	vadd.s32 v5, v4;
	v4 =	vmpcnt.ones.xlane vm6  }
0x27: {  	vm13 =	vne.s32 v7, $0x0;
	vm2 =	vne.s32 v2, $0x0;
	v2 =	vld [tilespmem:$0x80]  }
0x28: {  	v7 =	vsel vm13, $0x1, v0;
	v11 =	vmpcnt.ones.xlane vm1;
	v4 =	vadd.s32 v5, v4;
	v5, _, _ =	vpop (xrf0)  }
0x29: {  	[tilespmem:$0xD0] =	vst v1;
	v9 =	vsel vm2, $0x1, v0;
	v5 =	vadd.s32 v4, v5;
	v4 =	vadd.s32 v4, v8;
	v8, _, _ =	vpop (xrf0)  }
0x2a: {  	v61 =	vld [tilespmem:$0xA0];
	v3 =	vnsel vm6, $0x0, v3;
	(xrf0) =	vadd.scan.msk.s32 $0xffff, v9;
	v8 =	vadd.s32 v4, v8;
	v4 =	vadd.s32 v4, v6;
	v6, _, _ =	vpop (xrf0)  }
0x2b: {  	vm14 =	vne.s32 v10, $0x0;
	[tilespmem:$0xE0] =	vst v3;
	v3 =	vmpcnt.ones.xlane vm5;
	v1 =	vadd.s32 v4, v6;
	v6 =	vld [tilespmem:$0xB0]  }
0x2c: {  	v5 =	vnsel vm3, $0x0, v5;
	(xrf0) =	vadd.scan.msk.s32 $0xffff, v7;
	v4 =	vadd.s32 v4, v11;
	vm3 =	vne.s32 v2, $0x0;
	v2 =	vld [tilespmem:$0xC0];
	v7, _, _ =	vpop (xrf0)  }
0x2d: {  	v7 =	vadd.s32 v4, v7;
	v3 =	vadd.s32 v4, v3;
	v4 =	vsel vm14, $0x1, v0  }
0x2e: {  	v62 =	vsel vm3, $0x1, v0  }
0x2f: {  	v8 =	vnsel vm4, $0x0, v8;
	v1 =	vnsel vm1, $0x0, v1;
	vm1 =	vne.s32 v61, $0x0;
	(xrf0) =	vadd.scan.msk.s32 $0xffff, v62  }
0x30: {  	[tilespmem:$0xF0] =	vst v5;
	v5 =	vsel vm1, $0x1, v0;
	(xrf0) =	vadd.scan.msk.s32 $0xffff, v4;
	v4, _, _ =	vpop (xrf0);
	vm15 =	vne.s32 v6, $0x0  }
0x31: {  	(xrf0) =	vadd.scan.msk.s32 $0xffff, v5;
	v4 =	vadd.s32 v3, v4;
	v2 =	vnsel vm0, $0x0, v2;
	v5 =	vsel vm15, $0x1, v0  }
0x32: {  	[tilespmem:$0x100] =	vst v8;
	v6 =	vmpcnt.ones.xlane vm2;
	v4 =	vnsel vm2, $0x0, v4;
	vm2 =	vne.s32 v2, $0x0  }
0x33: {  	v63 =	vmpcnt.ones.xlane vm13;
	v7 =	vnsel vm5, $0x0, v7;
	[tilespmem:$0x110] =	vst v1;
	v8 =	vsel vm2, $0x1, v0  }
0x34: {  	[tilespmem:$0x120] =	vst v7;
	(xrf0) =	vadd.scan.msk.s32 $0xffff, v5;
	v3 =	vadd.s32 v3, v6;
	v6 =	vmpcnt.ones.xlane vm3;
	v5, _, _ =	vpop (xrf0)  }
0x35: {  	v7 =	vmpcnt.ones.xlane vm14;
	[tilespmem:$0x130] =	vst v4;
	v1 =	vadd.s32 v3, v5;
	v3 =	vadd.s32 v3, v63;
	v5, _, _ =	vpop (xrf0)  }
0x36: {  	(xrf0) =	vadd.scan.msk.s32 $0xffff, v8;
	v8, _, _ =	vpop (xrf0);
	v1 =	vnsel vm13, $0x0, v1;
	v6 =	vadd.s32 v3, v6;
	v3 =	vadd.s32 v3, v5  }
0x37: {  	v4 =	vadd.s32 v6, v8;
	v8, _, _ =	vpop (xrf0);
	v3 =	vnsel vm3, $0x0, v3;
	[tilespmem:$0x140] =	vst v1;
	v1 =	vadd.s32 v6, v7  }
0x38: {  	v5 =	vmpcnt.ones.xlane vm1;
	[tilespmem:$0x150] =	vst v3;
	v3 =	vadd.s32 v1, v8  }
0x39: {  	v3 =	vnsel vm1, $0x0, v3  }
0x3a: {  	v4 =	vnsel vm14, $0x0, v4;
	v1 =	vadd.s32 v1, v5;
	v5 =	vmpcnt.ones.xlane vm15  }
0x3b: {  	v6, _, _ =	vpop (xrf0);
	[tilespmem:$0x160] =	vst v4  }
0x3c: {  	v4 =	vadd.s32 v1, v6;
	[tilespmem:$0x170] =	vst v3;
	v1 =	vadd.s32 v1, v5;
	v3, _, _ =	vpop (xrf0)  }
0x3d: {  	[tilespmem:$0xC0] =	vst v2;
	v4 =	vnsel vm15, $0x0, v4;
	v1 =	vadd.s32 v3, v1  }
0x3e: {  	[tilespmem:$0x180] =	vst v4;
	v1 =	vnsel vm2, $0x0, v1  }
0x3f: {  	[tilespmem:$0x190] =	vst v1  }
0x40: {  	[tilespmem:s11], [sflag:$0x1] =	stream.indirect.gather [hbm4b:s5+s10], $0x40, s31, s10, $0xb8;
	[tilespmem:$0x69A0] =	vst v63  }
0x41: {  	_ = 	snop  }
0x42: {  	[tilespmem:s13], [sflag:$0x1] =	stream.indirect.gather [hbm4b:s5+s12], $0x40, s10, s12, $0xb8;
	[tilespmem:$0x69A0] =	vst v63  }
0x43: {  	_ = 	snop  }
0x44: {  	[tilespmem:s15], [sflag:$0x1] =	stream.indirect.gather [hbm4b:s6+s10], $0x40, s14, s10, $0xb8;
	[tilespmem:$0x69A0] =	vst v63  }
0x45: {  	_ = 	snop  }
0x46: {  	[tilespmem:s17], [sflag:$0x1] =	stream.indirect.gather [hbm4b:s6+s12], $0x40, s16, s12, $0xb8;
	[tilespmem:$0x69A0] =	vst v63  }
0x47: {  	_ =	swait.ge [sflag:s18], $0x2000  }
0x48: {  	[sflag:s18] =	ssyncset.done $0x0  }
0x49: {  	[sflag:s18] =	ssyncadd.s32 $0xFFFFE000  }
0x4a: {  	_ =	swait.ge [sflag:s18], $0x1400  }
0x4b: {  	[sflag:s18] =	ssyncset.done $0x0  }
0x4c: {  	[sflag:s18] =	ssyncadd.s32 $0xFFFFEC00  }
0x4d: {  	_ =	swait.ge [sflag:s18], $0x2000  }
0x4e: {  	[sflag:s18] =	ssyncset.done $0x0  }
0x4f: {  	[sflag:s18] =	ssyncadd.s32 $0xFFFFE000  }
0x50: {  	_ =	swait.ge [sflag:s18], $0x1400  }
0x51: {  	[sflag:s18] =	ssyncset.done $0x0  }
0x52: {  	s22 =	simm.s32 $0x0;
	[sflag:s18] =	ssyncadd.s32 $0xFFFFEC00  }
0x53: {  	v6 =	vld [tilespmem:s22+$0x35A0]  }
0x54: {  	v7 =	vld [tilespmem:s22+$0x35B0]  }
0x55: {  	v2 =	vld [tilespmem:s22+$0x35C0]  }
0x56: {  	v1 =	vld [tilespmem:s22+$0x35D0]  }
0x57: {  	v3 =	vld [tilespmem:s22+$0x1A0]  }
0x58: {  	v5 =	vld [tilespmem:s22+$0x1B0]  }
0x59: {  	s24 =	simm.s32 $0x100;
	s23 =	simm.s32 $0x0;
	v4 =	vld [tilespmem:s22+$0x1C0]  }
.LBB2_3:
0x5a: {  	s25 =	sshra.s32 s24, $0x2;
	p0 =	sne.s32 s24, $0x7F00;
	v8 =	vld [tilespmem:s23+$0x1D0];
	v9 =	vmov v2  }
0x5b: {  	v10 =	vld [tilespmem:s25+$0x35A0];
	v11 =	vmov v1  }
0x5c: {  	v12 =	vld [tilespmem:s25+$0x35B0];
	v3 =	vadd.f32 v6, v3  }
.Ltmp0:
0x5d: {  	v2 =	vld [tilespmem:s25+$0x35C0];
	v5 =	vadd.f32 v7, v5;
	(pc) =	sbr.rel @p0 .LBB2_3-.Ltmp0, $4  }
0x5e: {  	v1 =	vld [tilespmem:s25+$0x35D0];
	[tilespmem:s23+$0x1A0] =	vst v3;
	v4 =	vadd.f32 v9, v4  }
0x5f: {  	v3 =	vld [tilespmem:s25+$0x1A0];
	[tilespmem:s23+$0x1B0] =	vst v5;
	v8 =	vadd.f32 v11, v8  }
0x60: {  	v5 =	vld [tilespmem:s25+$0x1B0];
	[tilespmem:s23+$0x1C0] =	vst v4;
	v6 =	vmov v10  }
0x61: {  	s24 =	sadd.s32 $0x100, s24;
	v4 =	vld [tilespmem:s25+$0x1C0];
	[tilespmem:s23+$0x1D0] =	vst v8;
	v7 =	vmov v12;
	s23 =	smov.u32 s25  }
0x62: {  	v8 =	vld [tilespmem:s23+$0x1D0];
	_ =	sdelay $0x1  }
0x63: {  	v3 =	vadd.f32 v6, v3  }
0x64: {  	v5 =	vadd.f32 v7, v5  }
0x65: {  	[tilespmem:s23+$0x1A0] =	vst v3;
	v2 =	vadd.f32 v2, v4  }
0x66: {  	[tilespmem:s23+$0x1B0] =	vst v5;
	v1 =	vadd.f32 v1, v8  }
0x67: {  	[tilespmem:s23+$0x1C0] =	vst v2  }
0x68: {  	[tilespmem:s23+$0x1D0] =	vst v1  }
0x69: {  	v6 =	vld [tilespmem:s22+$0x55A0]  }
0x6a: {  	v7 =	vld [tilespmem:s22+$0x55B0]  }
0x6b: {  	v2 =	vld [tilespmem:s22+$0x55C0]  }
0x6c: {  	v1 =	vld [tilespmem:s22+$0x55D0]  }
0x6d: {  	v3 =	vld [tilespmem:s22+$0x21A0]  }
0x6e: {  	v5 =	vld [tilespmem:s22+$0x21B0]  }
0x6f: {  	s23 =	simm.s32 $0x100;
	v4 =	vld [tilespmem:s22+$0x21C0]  }
.LBB2_5:
0x70: {  	s24 =	sshra.s32 s23, $0x2;
	p0 =	sne.s32 s23, $0x4700;
	v8 =	vld [tilespmem:s22+$0x21D0];
	v9 =	vmov v2  }
0x71: {  	v10 =	vld [tilespmem:s24+$0x55A0];
	v11 =	vmov v1  }
0x72: {  	v12 =	vld [tilespmem:s24+$0x55B0];
	v3 =	vadd.f32 v6, v3  }
.Ltmp1:
0x73: {  	v2 =	vld [tilespmem:s24+$0x55C0];
	v5 =	vadd.f32 v7, v5;
	(pc) =	sbr.rel @p0 .LBB2_5-.Ltmp1, $4  }
0x74: {  	v1 =	vld [tilespmem:s24+$0x55D0];
	[tilespmem:s22+$0x21A0] =	vst v3;
	v4 =	vadd.f32 v9, v4  }
0x75: {  	v3 =	vld [tilespmem:s24+$0x21A0];
	[tilespmem:s22+$0x21B0] =	vst v5;
	v8 =	vadd.f32 v11, v8  }
0x76: {  	v5 =	vld [tilespmem:s24+$0x21B0];
	[tilespmem:s22+$0x21C0] =	vst v4;
	v6 =	vmov v10  }
0x77: {  	s23 =	sadd.s32 $0x100, s23;
	v4 =	vld [tilespmem:s24+$0x21C0];
	[tilespmem:s22+$0x21D0] =	vst v8;
	v7 =	vmov v12;
	s22 =	smov.u32 s24  }
0x78: {  	v8 =	vld [tilespmem:s22+$0x21D0];
	_ =	sdelay $0x1  }
0x79: {  	v3 =	vadd.f32 v6, v3  }
0x7a: {  	v5 =	vadd.f32 v7, v5  }
0x7b: {  	[tilespmem:s22+$0x21A0] =	vst v3;
	v2 =	vadd.f32 v2, v4  }
0x7c: {  	s21 =	smul.u32 $0x640, s21;
	[tilespmem:s22+$0x21B0] =	vst v5;
	v1 =	vadd.f32 v1, v8  }
0x7d: {  	[tilespmem:s22+$0x21C0] =	vst v2  }
0x7e: {  	s21 =	sadd.s32 s1, s21;
	[tilespmem:s22+$0x21D0] =	vst v1  }
0x7f: {  	[hbm4b:s21+s2] =	stream.linear.scatter [tilespmem:s11], [sflag:$0x2], $0x2000, $0x38;
	[tilespmem:$0x69A0] =	vst v63  }
0x80: {  	s20 =	sadd.s32 $0x1, s20;
	_ =	swait.ge [sflag:s9], $0x2000  }
0x81: {  	p0 =	sne.s32 s20, $0x80;
	[sflag:s9] =	ssyncset.done $0x0  }
.Ltmp2:
0x82: {  	s21 =	sadd.s32 $0x400, s21;
	[sflag:s9] =	ssyncadd.s32 $0xFFFFE000;
	(pc) =	sbr.rel @p0 .LBB2_2-.Ltmp2, $4  }
0x83: {  	[hbm4b:s21+s2] =	stream.linear.scatter [tilespmem:s13], [sflag:$0x2], $0x1200, $0x38;
	[tilespmem:$0x69A0] =	vst v63  }
0x84: {  	_ =	swait.ge [sflag:s9], $0x1200  }
0x85: {  	[sflag:s9] =	ssyncset.done $0x0  }
0x86: {  	[sflag:s9] =	ssyncadd.s32 $0xFFFFEE00  }
0x87: {  	s19 =	sadd.s32 $0x1, s19  }
0x88: {  	p0 =	sne.s32 s19, s8  }
.Ltmp3:
0x89: {  	_ = 	snop;
	(pc) =	sbr.rel @p0 .LBB2_1-.Ltmp3, $1  }
0x8a: {  	_ =	sdelay $0x3  }
0x8b: {  	_ =	sfence.sel $0x180000  }
0x8c: {  	[bflag:$0x0] =	sbarrier.arrive $0xFFFF  }
0x8d: {  	p0 =	sne.s32 s3, $0x0;
	_ =	strace $0x90000047  }
0x8e: {  	s0 =	sadd.s32 @!p0 $0x100000, s0;
	[bflag:$0x2] =	sbarrier.arrive $0xFFFF  }
0x8f: {  	[sflag:s0] =	ssyncadd.tile.s32 @!p0 $0x1;
	_ =	shalt  }
.Lfunc_end2:
_tile_overlayer_lowered:
.L_overlay_start_2:
0x90: {  	(tag) =	ssettag $0x2  }
0x91: {  	s0 =	rddreg [dreg:$0x0];
	s2 =	stileid.u32  }
0x92: {  	s1 =	rddreg [dreg:$0x1];
	p0 =	sne.s32 s2, $0x0  }
0x93: {  	s3 =	rddreg [dreg:$0x2];
	[bflag:$0x3] =	sbarrier.arrive $0xFFFF;
	s2 =	simm.s32 @!p0 $0x1C02  }
0x94: {  	[timem:s3], [sflag:s2] =	dma.local @!p0 [hbm:s0], s1  }
0x95: {  	s0 =	simm.s32 @!p0 $0x2  }
0x96: {  	_ =	swait.ge @!p0 [sflag:s0], s1  }
0x97: {  	s1 =	ssub.s32 @!p0 $0x0, s1;
	[sflag:s0] =	ssyncset.done @!p0 $0x0  }
0x98: {  	[sflag:s0] =	ssyncadd.s32 @!p0 s1  }
0x99: {  	[bflag:$0x3] =	sbarrier.arrive $0xFFFF  }
0x9a: {  	_ =	shalt  }

// kernel: sparse-core-data-format-call.cloned.1.call-start
scs
called_computation_lowered:
.L_overlay_start_0:
0x0: {  	s2 =	sld [smem:$0x3FD9]  }
0x1: {  	s3 =	sld [smem:$0x3FFE];
	_ =	sdelay $0x1  }
0x2: {  	s1 =	srdreg.scid  }
0x3: {  	s0 =	sand.u32 $0x1, s1  }
0x4: {  	s18 =	sshll.u32 s0, $0xA;
	s2 =	sadd.s32 s3, s2  }
0x5: {  	s2 =	sadd.s32 s2, s18  }
0x6: {  	[smem:$0x3FC5] =	sst s2  }
0x7: {  	_ = 	snop  }
0x8: {  	s2 =	sld [smem:$0x3FD0];
	(tm) =	ssettm $0x1  }
0x9: {  	s19 =	sld [smem:$0x3FFB];
	_ =	sdelay $0x3  }
0xa: {  	_ =	strace s19  }
0xb: {  	s3 =	sld [smem:$0x3FFC];
	_ =	sdelay $0x3  }
0xc: {  	_ =	strace s3  }
0xd: {  	s3 =	sld [smem:$0x3FFD];
	_ =	sdelay $0x3  }
0xe: {  	_ =	strace s3  }
0xf: {  	_ =	strace $0x8FFFFFFF  }
0x10: {  	s20 =	sld [smem:$0x3FDB];
	_ =	sdelay $0x1  }
0x11: {  	s4 =	simm.s32 $_scs_section_size  }
0x12: {  	s5 =	simm.s32 $_size__tile_overlayer_lowered;
	s6 =	simm.s32 $_tile_overlayer_lowered  }
0x13: {  	s23 =	simm.s32 $0x1BFF;
	s22 =	sshll.u32 s6, $0x1;
	s3 =	sadd.s32 s4, s20  }
0x14: {  	s7 =	simm.s32 $0x0;
	s21 =	sshll.u32 s5, $0x1;
	s5 =	sadd.s32 s22, s3  }
0x15: {  	[timem:s7], [sflag:s23] =	dma.local [hbm:s5], s21  }
0x16: {  	_ =	swait.ge [sflag:s23], s21  }
0x17: {  	s4 =	ssub.s32 $0x0, s21;
	[sflag:s23] =	ssyncset.done $0x0  }
0x18: {  	[sflag:s23] =	ssyncadd.s32 s4;
	_ =	sdelay $0x1  }
0x19: {  	s24 =	simm.s32 $0x1B8B  }
0x1a: {  	_ =	swait.ge [sflag:s24], $0x1  }
0x1b: {  	[sflag:s24] =	ssyncset.done $0x0  }
0x1c: {  	s26 =	simm.s32 $0x1B8E;
	s25 =	sld [smem:$0x3FFE];
	[sflag:s24] =	ssyncadd.s32 $0xFFFFFFFF  }
0x1d: {  	s27 =	simm.s32 $execute0_lowered;
	[smem:$0x3FD2] =	sst s26  }
0x1e: {  	s5 =	sshll.u32 s27, $0x1;
	_ =	strace $0x80000049;
	[dreg:$0x1] =	wrdreg $0xFFFFFFFF  }
0x1f: {  	s28 =	simm.s32 $_size_execute0_lowered;
	s3 =	sadd.s32 s3, s5;
	[dreg:$0x0] =	wrdreg $0x0  }
0x20: {  	s5 =	sshll.u32 s28, $0x1;
	[dreg:$0x2] =	wrdreg s3  }
0x21: {  	[dreg:$0x3] =	wrdreg s5  }
0x22: {  	[dreg:$0x4] =	wrdreg $0xC0  }
0x23: {  	_ =	task [dreg:s7], $0x5FFFF  }
0x24: {  	[dreg:$0x1] =	wrdreg $0xFFFFFFFF  }
0x25: {  	[dreg:$0x0] =	wrdreg $0x60  }
0x26: {  	[dreg:$0x2] =	wrdreg s25  }
0x27: {  	[dreg:$0x3] =	wrdreg s2  }
0x28: {  	[dreg:$0x4] =	wrdreg $0x9  }
0x29: {  	_ =	task.clear_ibuf [dreg:s7], $0x5FFFF;
	_ =	strace $0x90000049  }
0x2a: {  	s29 =	simm.s32 $0x9;
	_ =	strace $0x8000004B  }
0x2b: {  	_ =	swait.ge [sflag:s29], $0x1  }
0x2c: {  	[sflag:s29] =	ssyncadd.s32 $0xFFFFFFFF  }
0x2d: {  	_ =	strace $0x9000004B  }
0x2e: {  	_ =	sfence  }
0x2f: {  	s30 =	sld [smem:$0x0];
	_ =	sdelay $0x2  }
0x30: {  	s31 =	sshll.u32 s1, $0xD;
	s1 =	sshrl.u32 s1, $0x2  }
0x31: {  	s3 =	sand.u32 $0x4000, s31;
	s1 =	sadd.s32 s1, s30  }
0x32: {  	s0 =	sor.u32 s3, s0;
	s1 =	sshll.u32 s1, $0x11  }
0x33: {  	s0 =	sor.u32 s1, s0  }
0x34: {  	s0 =	sadd.s32 $0x8F2B, s0  }
0x35: {  	[sflag:s0] =	ssyncadd.remote.s32 $0x1  }
0x36: {  	_ =	sfence.sel $0xFFFF  }
0x37: {  	[dreg:$0x0] =	wrdreg $0xFFFFFFFF;
	(pc) =	sbr.abs _section_cstart, $3  }
0x38: {  	[dreg:$0x1] =	wrdreg $0xFFFFFFFF  }
0x39: {  	_ =	task.clear_ibuf [dreg:s7], $0x2FFFF;
	_ =	strace $0x9FFFFFFF  }
0x3a: {  	(tm) =	ssettm $0x7FFFFFFF  }
0x3b: {  	_ =	shalt  }
tec
execute0_lowered:
.L_overlay_start_1:
0x0: {  	(tag) =	ssettag $0x1  }
0x1: {  	s0 =	srdreg.scid  }
0x2: {  	s1 =	sshll.u32 s0, $0x4  }
0x3: {  	s0 =	stileid.u32;
	s1 =	sand.u32 $0x10, s1  }
0x4: {  	s1 =	sor.u32 s0, s1  }
0x5: {  	s6 =	rddreg [dreg:$0x0];
	s4 =	simm.s32 $0x1;
	s2 =	sshll.u32 s1, $0x7  }
0x6: {  	s7 =	simm.s32 $0x2;
	s12 =	simm.s32 $0x0;
	s1 =	ssub.s32 $0x1000, s2  }
0x7: {  	s8 =	simm.s32 $0x8000;
	s13 =	simm.s32 $0x0;
	s3 =	sand.u32 $0xF80, s1  }
0x8: {  	s9 =	simm.s32 $0x0;
	s5 =	sshrl.u32 s1, $0xC;
	p0 =	sne.s32 s3, $0x0  }
.Ltmp0:
0x9: {  	s1 =	rddreg [dreg:$0x2];
	s4 =	simm.s32 @!p0 $0x0;
	(pc) =	sbr.rel .LBB1_1-.Ltmp0, $4  }
0xa: {  	s11 =	simm.s32 $0x0;
	s3 =	rddreg [dreg:$0x1];
	s5 =	sadd.s32 s4, s5  }
0xb: {  	_ =	strace $0x8000004A;
	s4 =	simm.s32 $0x1;
	s5 =	smul.u32 $0xC8, s5  }
0xc: {  	s6 =	sadd.s32 $0xC00, s6;
	s10 =	smov.u32 s2;
	[sflag:s4] =	ssyncpa.u1 $0x0  }
0xd: {  	p0 =	por $0x0, $0x0;
	[sflag:s7] =	ssyncpa.u1 $0x0;
	s7 =	sor.u32 $0x1, s5  }
.LBB1_4:
0xe: {  	s16 =	sshll.u32 s13, $0x3;
	s17 =	sand.u32 $0x78, s13  }
0xf: {  	s30 =	sand.u32 $0x7E00, s13;
	s12 =	sshll.u32 s12, $0xF;
	s16 =	sand.u32 $0xC00, s16  }
0x10: {  	[tilespmem:s15+$0x810 ss:$0x81] =	vst.msk $0xffff, v2;
	s31 =	sand.u32 $0x7, s13;
	s16 =	sor.u32 s17, s16;
	s17 =	sadd.s32 s3, s30  }
0x11: {  	[tilespmem:s15+$0x1020 ss:$0x81] =	vst.msk $0xffff, v0;
	s13 =	sshll.u32 s31, $0x12;
	s12 =	sadd.s32 s12, s17;
	s16 =	sshrl.u32 s16, $0x3  }
0x12: {  	[tilespmem:s15+$0x0 ss:$0x81] =	vst.msk $0xffff, v1;
	s13 =	sor.u32 $0x400, s13;
	s12 =	sadd.s32 s16, s12  }
0x13: {  	[hbm4b:s12+s13] =	stream.strided.scatter [tilespmem:s14], [sflag:$0x2], $0x2000, s8, s13, $0x20;
	[tilespmem:$0x8080] =	vst v63  }
.LBB1_5:
0x14: {  	s14 =	sadd.s32 $0x1, s9  }
0x15: {  	s12 =	sadd.s32 $0x1000, s10;
	s16 =	smov.u32 s10;
	p2 =	sgt.s32 s14, $0xC7  }
0x16: {  	s16 =	smov.u32 @p2 s12  }
0x17: {  	s14 =	simm.s32 @p2 $0x0;
	p2 =	sgt.s32 s16, $0xFFF  }
0x18: {  	s16 =	smov.u32 @p2 s2;
	p2 =	sne.s32 s11, s7  }
.Ltmp1:
0x19: {  	p1 =	slt.u32 s11, $0x2;
	(pc) =	sbr.rel @!p2 .LBB1_6-.Ltmp1, $4  }
0x1a: {  	s15 =	simm.s32 @!p1 $0x2  }
0x1b: {  	s13 =	smov.u32 s10;
	p0 =	por !p0, !p0;
	_ =	swait.ge @!p1 [sflag:s15], $0x2000  }
0x1c: {  	s12 =	smov.u32 s9;
	[sflag:s15] =	ssyncset.done @!p1 $0x0;
	s9 =	smov.u32 s14  }
0x1d: {  	s11 =	sadd.s32 $0x1, s11;
	[sflag:s15] =	ssyncadd.s32 @!p1 $0xFFFFE000;
	s10 =	smov.u32 s16  }
.LBB1_1:
0x1e: {  	p1 =	sge.u32 s11, s5  }
0x1f: {  	s14 =	sand.u32 @!p1 $0x1FFFFFF, s9  }
0x20: {  	s15 =	smulhi.u32 @!p1 $0x147AE15, s14;
	_ =	sdelay $0x1  }
0x21: {  	s15 =	smul.u32 @!p1 $0xC8, s15  }
0x22: {  	s16 =	sxor.u32 @!p1 $0xFFFFFFFF, s11;
	s17 =	smul.u32 @!p1 $0xC80, s10  }
0x23: {  	s31 =	sadd.s32 $0xFFFFFFFF, s11;
	s16 =	sshll.u32 @!p1 s16, $0xD;
	s14 =	ssub.s32 @!p1 s14, s15  }
0x24: {  	s15 =	sand.u32 @!p1 $0x2000, s16;
	s16 =	sadd.s32 @!p1 s6, s17;
	s14 =	sshll.u32 @!p1 s14, $0x4  }
0x25: {  	s17 =	simm.s32 @!p1 $0x6400;
	s14 =	sadd.s32 @!p1 s14, s16;
	s16 =	simm.s32 @!p1 $0x40  }
0x26: {  	[tilespmem:s15], [sflag:$0x1] =	stream.strided.gather @!p1 [hbm4b:s14+s16], $0x2000, s17, s16, $0x38;
	[tilespmem:$0x8080] =	vst v63  }
0x27: {  	p1 =	sge.u32 s31, s5  }
.Ltmp2:
0x28: {  	_ = 	snop;
	(pc) =	sbr.rel @p1 .LBB1_5-.Ltmp2, $1  }
0x29: {  	_ =	sdelay $0x3  }
0x2a: {  	s14 =	simm.s32 $0x1  }
0x2b: {  	_ =	swait.ge [sflag:s4], $0x2000;
	s14 =	simm.s32 @!p0 $0x0  }
0x2c: {  	[sflag:s4] =	ssyncset.done $0x0;
	s15 =	sshll.u32 s14, $0xD  }
0x2d: {  	[sflag:s4] =	ssyncadd.s32 $0xFFFFE000;
	s18 =	sor.u32 $0x20, s15  }
0x2e: {  	s14 =	smul.u32 $0x8100, s14;
	v3 =	vld [tilespmem:s18+$0x10]  }
0x2f: {  	s30 =	sand.u32 $0x1, s11;
	v2 =	vld [tilespmem:s18+$0xFFFFFFF0]  }
0x30: {  	s15 =	smul.u32 $0x8100, s30;
	s14 =	sshrl.u32 s14, $0x2;
	v0 =	vld [tilespmem:s18+$0x0]  }
0x31: {  	v1 =	vld [tilespmem:s18+$0xFFFFFFE0];
	s16 =	sor.u32 $0x4000, s14  }
0x32: {  	s31 =	sshrl.u32 s15, $0x2;
	s15 =	sadd.s32 $0x0, s16  }
0x33: {  	s17 =	simm.s32 $0x4;
	s18 =	sadd.s32 $0x40, s18;
	s14 =	sor.u32 $0x4000, s31;
	[tilespmem:s15+$0x1830 ss:$0x81] =	vst.msk $0xffff, v3  }
.LBB1_3:
0x34: {  	v3 =	vld [tilespmem:s18+$0x10];
	p1 =	sne.s32 s17, $0x1FC;
	[tilespmem:s15+$0x810 ss:$0x81] =	vst.msk $0xffff, v2;
	s19 =	smov.u32 s17;
	s17 =	sadd.s32 $0x4, s17  }
.Ltmp3:
0x35: {  	v2 =	vld [tilespmem:s18+$0xFFFFFFF0];
	[tilespmem:s15+$0x1020 ss:$0x81] =	vst.msk $0xffff, v0;
	(pc) =	sbr.rel @p1 .LBB1_3-.Ltmp3, $4  }
0x36: {  	v0 =	vld [tilespmem:s18+$0x0];
	[tilespmem:s15+$0x0 ss:$0x81] =	vst.msk $0xffff, v1  }
0x37: {  	s15 =	sshra.s32 s19, $0x2;
	v1 =	vld [tilespmem:s18+$0xFFFFFFE0]  }
0x38: {  	s15 =	sadd.s32 s15, s16  }
0x39: {  	s18 =	sadd.s32 $0x40, s18;
	[tilespmem:s15+$0x1830 ss:$0x81] =	vst.msk $0xffff, v3  }
.Ltmp4:
0x3a: {  	_ = 	snop;
	(pc) =	sbr.rel .LBB1_4-.Ltmp4, $1  }
0x3b: {  	_ =	sdelay $0x3  }
.LBB1_6:
0x3c: {  	_ =	sfence.sel $0x180000  }
0x3d: {  	s2 =	simm.s32 $0x1;
	[bflag:$0x0] =	sbarrier.arrive $0xFFFF  }
0x3e: {  	s31 =	simm.s32 $0x2;
	[sflag:s2] =	ssyncpa.u1 $0x1  }
0x3f: {  	[sflag:s31] =	ssyncpa.u1 $0x1  }
0x40: {  	p0 =	sne.s32 s0, $0x0;
	_ =	strace $0x9000004A  }
0x41: {  	s0 =	sadd.s32 @!p0 $0x100000, s1;
	[bflag:$0x2] =	sbarrier.arrive $0xFFFF  }
0x42: {  	[sflag:s0] =	ssyncadd.tile.s32 @!p0 $0x1;
	_ =	shalt  }
.Lfunc_end1:
_tile_overlayer_lowered:
.L_overlay_start_2:
0x43: {  	(tag) =	ssettag $0x2  }
0x44: {  	s0 =	rddreg [dreg:$0x0];
	s2 =	stileid.u32  }
0x45: {  	s1 =	rddreg [dreg:$0x1];
	p0 =	sne.s32 s2, $0x0  }
0x46: {  	s3 =	rddreg [dreg:$0x2];
	[bflag:$0x3] =	sbarrier.arrive $0xFFFF;
	s2 =	simm.s32 @!p0 $0x1C01  }
0x47: {  	[timem:s3], [sflag:s2] =	dma.local @!p0 [hbm:s0], s1  }
0x48: {  	s0 =	simm.s32 @!p0 $0x1  }
0x49: {  	_ =	swait.ge @!p0 [sflag:s0], s1  }
0x4a: {  	s1 =	ssub.s32 @!p0 $0x0, s1;
	[sflag:s0] =	ssyncset.done @!p0 $0x0  }
0x4b: {  	[sflag:s0] =	ssyncadd.s32 @!p0 s1  }
0x4c: {  	[bflag:$0x3] =	sbarrier.arrive $0xFFFF  }
0x4d: {  	_ =	shalt  }

</sc_bundles>
